<compile_context>
chip_gen: v7x
topology: tpu7x:2x2x1
jax: 0.10.2.dev20260603
libtpu: 0.0.44.dev20260713+nightly
codegen_flags: <defaults>
</compile_context>

<pallas_src>
import functools

import jax
import jax.numpy as jnp
from jax import lax
from jax.experimental import pallas as pl
from jax.experimental.pallas import tpu as pltpu
from jax.experimental.pallas import tpu_sc as plsc

T = 2048
D = 1024
E = 8
K = 1024
K2 = 2 * K
TB = 256
NJOBS = T // TB + E
P = T + E * TB
BALANCE_COEF = 0.01
LN_EPS = 1e-5

SC_CORES = 2
SC_SUBCORES = 16
SC_WORKERS = SC_CORES * SC_SUBCORES
CHUNK = T // SC_WORKERS


def _gating_body(x_ref, w1_ref, b1_ref, w2_ref, pos_ref, tbl_ref, loss_ref):
    xt = x_ref[...]
    g1 = lax.dot_general(xt, w1_ref[...], (((1,), (1,)), ((), ())),
                         preferred_element_type=jnp.float32) + b1_ref[...]
    ga = g1[:, :E] * jax.nn.sigmoid(g1[:, E:])
    lt = lax.dot_general(w2_ref[...], ga, (((1,), (1,)), ((), ())),
                         preferred_element_type=jnp.float32)

    ie = lax.broadcasted_iota(jnp.int32, (E, T), 0)
    mx = jnp.max(lt, axis=0, keepdims=True)
    choice = jnp.min(jnp.where(lt == mx, ie, E), axis=0, keepdims=True)
    onehot = (ie == choice).astype(jnp.float32)

    counts = jnp.sum(onehot, axis=1, keepdims=True)
    probs = counts * (1.0 / T)
    plogp = probs * jnp.log(probs + 1e-10)
    loss_ref[...] = jnp.sum(plogp, axis=0, keepdims=True) * (-BALANCE_COEF)

    C = 16
    CH = T // C
    r = lax.broadcasted_iota(jnp.int32, (CH, CH), 0)
    c = lax.broadcasted_iota(jnp.int32, (CH, CH), 1)
    striu = (r < c).astype(jnp.float32)
    parts = [
        lax.dot_general(onehot[:, i * CH:(i + 1) * CH], striu,
                        (((1,), (0,)), ((), ())),
                        preferred_element_type=jnp.float32)
        for i in range(C)
    ]
    within = jnp.concatenate(parts, axis=1)
    rA = lax.broadcasted_iota(jnp.int32, (T, C), 0)
    cA = lax.broadcasted_iota(jnp.int32, (T, C), 1)
    AT = (rA // CH == cA).astype(jnp.float32)
    csum = lax.dot_general(onehot, AT, (((1,), (0,)), ((), ())),
                           preferred_element_type=jnp.float32)
    r16 = lax.broadcasted_iota(jnp.int32, (C, C), 0)
    c16 = lax.broadcasted_iota(jnp.int32, (C, C), 1)
    striu16 = (r16 < c16).astype(jnp.float32)
    coff = lax.dot_general(csum, striu16, (((1,), (0,)), ((), ())),
                           preferred_element_type=jnp.float32)
    rB = lax.broadcasted_iota(jnp.int32, (C, T), 0)
    cB = lax.broadcasted_iota(jnp.int32, (C, T), 1)
    A = (cB // CH == rB).astype(jnp.float32)
    coff_hi = jnp.floor(coff * (1.0 / CH))
    coff_lo = coff - coff_hi * CH
    rank = within + (
        lax.dot_general(coff_hi, A, (((1,), (0,)), ((), ())),
                        preferred_element_type=jnp.float32) * CH
        + lax.dot_general(coff_lo, A, (((1,), (0,)), ((), ())),
                          preferred_element_type=jnp.float32))

    re8 = lax.broadcasted_iota(jnp.int32, (E, E), 0)
    ce8 = lax.broadcasted_iota(jnp.int32, (E, E), 1)
    stril = (ce8 < re8).astype(jnp.float32)
    stril_inc = (ce8 <= re8).astype(jnp.float32)
    jobs = jnp.floor((counts + (TB - 1)) * (1.0 / TB))
    jexc = lax.dot_general(stril, jobs, (((1,), (0,)), ((), ())),
                           preferred_element_type=jnp.float32)
    posf = jnp.sum(onehot * (rank + jexc * TB), axis=0, keepdims=True)
    pos_ref[...] = posf.astype(jnp.int32)

    jinc = lax.dot_general(stril_inc, jobs, (((1,), (0,)), ((), ())),
                           preferred_element_type=jnp.float32)
    total = jnp.sum(jobs, axis=0, keepdims=True)
    jv = lax.broadcasted_iota(jnp.int32, (E, NJOBS), 1).astype(jnp.float32)
    jcl = jnp.minimum(jv, total - 1.0)
    jexp = jnp.sum((jcl >= jinc).astype(jnp.float32), axis=0, keepdims=True)
    jtile = jcl[:1, :]
    validf = (jv[:1, :] < total).astype(jnp.float32)
    tbl_ref[...] = jnp.concatenate([jexp, jtile, validf],
                                   axis=0).astype(jnp.int32)


def _gating(flat_x, gate_w1, gate_b1, gate_w2):
    return pl.pallas_call(
        _gating_body,
        out_shape=[
            jax.ShapeDtypeStruct((1, T), jnp.int32),
            jax.ShapeDtypeStruct((3, NJOBS), jnp.int32),
            jax.ShapeDtypeStruct((1, 1), jnp.float32),
        ],
    )(flat_x, gate_w1, gate_b1.reshape(1, 2 * E), gate_w2)


def _expert_body(s_ref, x_ref, w_ref, b_ref, g_ref, bb_ref, pw_ref, pb_ref, o_ref):
    j = pl.program_id(0)

    @pl.when(s_ref[2, j] == 1)
    def _():
        xt = x_ref[...]
        w = w_ref[0]
        h = lax.dot_general(xt, w, (((1,), (1,)), ((), ())),
                            preferred_element_type=jnp.float32) + b_ref[0]
        glu = h[:, :K] * jax.nn.sigmoid(h[:, K:])
        m = jnp.mean(glu, axis=1, keepdims=True)
        v = jnp.mean((glu - m) * (glu - m), axis=1, keepdims=True)
        normed = (glu - m) * lax.rsqrt(v + LN_EPS)
        oe = normed * g_ref[0] + bb_ref[0]
        y = lax.dot_general(oe, pw_ref[...], (((1,), (1,)), ((), ())),
                            preferred_element_type=jnp.float32)
        o_ref[...] = y + pb_ref[...]


def _expert_call(tbl, x_sorted, ew1, eb1, ln_g, ln_b, proj_w, proj_b2):
    grid_spec = pltpu.PrefetchScalarGridSpec(
        num_scalar_prefetch=1,
        grid=(NJOBS,),
        in_specs=[
            pl.BlockSpec((TB, D), lambda j, s: (s[1, j], 0)),
            pl.BlockSpec((1, K2, D), lambda j, s: (s[0, j], 0, 0),
                         pipeline_mode=pl.Buffered(buffer_count=2)),
            pl.BlockSpec((1, 1, K2), lambda j, s: (s[0, j], 0, 0)),
            pl.BlockSpec((1, 1, K), lambda j, s: (s[0, j], 0, 0)),
            pl.BlockSpec((1, 1, K), lambda j, s: (s[0, j], 0, 0)),
            pl.BlockSpec((D, K), lambda j, s: (0, 0)),
            pl.BlockSpec((1, D), lambda j, s: (0, 0)),
        ],
        out_specs=pl.BlockSpec((TB, D), lambda j, s: (s[1, j], 0)),
    )
    return pl.pallas_call(
        _expert_body,
        grid_spec=grid_spec,
        out_shape=jax.ShapeDtypeStruct((P, D), jnp.float32),
    )(tbl, x_sorted, ew1, eb1.reshape(E, 1, K2), ln_g.reshape(E, 1, K),
      ln_b.reshape(E, 1, K), proj_w, proj_b2)


def _sc_mesh():
    return plsc.VectorSubcoreMesh(core_axis_name="c", subcore_axis_name="s",
                                  num_cores=SC_CORES, num_subcores=SC_SUBCORES)


def _sc_dispatch(flat_x, pos):

    @functools.partial(
        pl.kernel,
        out_type=jax.ShapeDtypeStruct((P, D), jnp.float32),
        mesh=_sc_mesh(),
        scratch_types=[
            pltpu.VMEM((CHUNK,), jnp.int32),
            pltpu.VMEM((CHUNK, D), jnp.float32),
            pltpu.SemaphoreType.DMA,
        ],
    )
    def k(x_hbm, pos_hbm, out_hbm, idx_v, rows_v, sem):
        wid = lax.axis_index("s") * SC_CORES + lax.axis_index("c")
        base = wid * CHUNK
        pltpu.sync_copy(pos_hbm.at[pl.ds(base, CHUNK)], idx_v)
        pltpu.sync_copy(x_hbm.at[pl.ds(base, CHUNK)], rows_v)
        pltpu.async_copy(rows_v, out_hbm.at[idx_v], sem).wait()

    return k(flat_x, pos)


def _sc_unpermute(y_sorted, pos):

    @functools.partial(
        pl.kernel,
        out_type=jax.ShapeDtypeStruct((T, D), jnp.float32),
        mesh=_sc_mesh(),
        scratch_types=[
            pltpu.VMEM((CHUNK,), jnp.int32),
            pltpu.VMEM((CHUNK, D), jnp.float32),
            pltpu.SemaphoreType.DMA,
        ],
    )
    def k(y_hbm, pos_hbm, out_hbm, idx_v, rows_v, sem):
        wid = lax.axis_index("s") * SC_CORES + lax.axis_index("c")
        base = wid * CHUNK
        pltpu.sync_copy(pos_hbm.at[pl.ds(base, CHUNK)], idx_v)
        pltpu.async_copy(y_hbm.at[idx_v], rows_v, sem).wait()
        pltpu.sync_copy(rows_v, out_hbm.at[pl.ds(base, CHUNK)])

    return k(y_sorted, pos)


def kernel(x, gate_w1, gate_b1, gate_w2, ew1, eb1, ln_g, ln_b, proj_w, proj_b):
    bs, seq, d = x.shape
    flat_x = x.reshape(bs * seq, d)
    pos2, tbl, loss = _gating(flat_x, gate_w1, gate_b1, gate_w2)
    pos = pos2.reshape(T)
    x_sorted = _sc_dispatch(flat_x, pos)
    y_sorted = _expert_call(tbl, x_sorted, ew1, eb1, ln_g, ln_b,
                            proj_w, proj_b.reshape(1, D))
    y = _sc_unpermute(y_sorted, pos)
    return y.reshape(bs, seq, d), loss[0, 0]

# --- scband reference (transcript-rebuilt; emitter-appended) ---
"""Pipeline reference for scband-expert-layer-45122926412361 (READ-ONLY COPY).

The authoritative reference and input builder live on the scoring server;
editing this copy changes nothing except your own understanding.
"""

import jax, jax.numpy as jnp
import numpy as np

BS = 1
SEQ = 2048
D_MODEL = 1024
E = 8
EXPERT_DIM = 1024
BALANCE_COEF = 0.01
LN_EPS = 1e-5


def _glu(h):
    a, b = jnp.split(h, 2, axis=-1)
    return a * jax.nn.sigmoid(b)


def setup_inputs(seed: int = 0) -> dict:
    key = jax.random.key(seed)
    ks = jax.random.split(key, 8)
    x = jax.random.normal(ks[0], (BS, SEQ, D_MODEL), dtype=jnp.float32)
    gate_w1 = jax.random.normal(ks[1], (2 * E, D_MODEL), dtype=jnp.float32) * 0.02
    gate_b1 = jnp.zeros((2 * E,), dtype=jnp.float32)
    gate_w2 = jax.random.normal(ks[2], (E, E), dtype=jnp.float32) * 0.02
    ew1 = jax.random.normal(ks[3], (E, 2 * EXPERT_DIM, D_MODEL), dtype=jnp.float32) * 0.02
    eb1 = jnp.zeros((E, 2 * EXPERT_DIM), dtype=jnp.float32)
    ln_g = jnp.ones((E, EXPERT_DIM), dtype=jnp.float32)
    ln_b = jnp.zeros((E, EXPERT_DIM), dtype=jnp.float32)
    proj_w = jax.random.normal(ks[4], (D_MODEL, EXPERT_DIM), dtype=jnp.float32) * 0.02
    proj_b = jnp.zeros((D_MODEL,), dtype=jnp.float32)
    return {"x": x, "gate_w1": gate_w1, "gate_b1": gate_b1, "gate_w2": gate_w2,
            "ew1": ew1, "eb1": eb1, "ln_g": ln_g, "ln_b": ln_b,
            "proj_w": proj_w, "proj_b": proj_b}


def reference(x, gate_w1, gate_b1, gate_w2, ew1, eb1, ln_g, ln_b, proj_w, proj_b):
    bs, seq, d = x.shape
    flat_x = x.reshape(-1, d)  # [T, d_model]
    # gate: Linear(d_model, 2E) -> GLU -> Linear(E, E, no bias)
    g = _glu(flat_x @ gate_w1.T + gate_b1)  # [T, E]
    gate_logits = g @ gate_w2.T  # [T, E]
    routing_weights = jax.nn.softmax(gate_logits, axis=-1)
    expert_choice = jnp.argmax(routing_weights, axis=-1)  # [T]
    expert_counts = jnp.bincount(expert_choice, length=E).astype(jnp.float32)
    expert_probs = expert_counts / (bs * seq)
    balance_loss = -jnp.sum(expert_probs * jnp.log(expert_probs + 1e-10)) * BALANCE_COEF
    # dense evaluation of all experts on all tokens (as in the torch module)
    h = jnp.einsum('ekd,td->etk', ew1, flat_x) + eb1[:, None, :]  # [E, T, 2K]
    glu = _glu(h)  # [E, T, K]
    mean = jnp.mean(glu, axis=-1, keepdims=True)
    var = jnp.var(glu, axis=-1, keepdims=True)
    normed = (glu - mean) / jnp.sqrt(var + LN_EPS)
    out_e = normed * ln_g[:, None, :] + ln_b[:, None, :]  # [E, T, K]
    expert_outputs = jnp.transpose(out_e, (1, 0, 2))  # [T, E, K] (stack dim=1)
    # select the argmax expert output per token (one-hot mask selection)
    selected = jnp.take_along_axis(expert_outputs, expert_choice[:, None, None], axis=1)[:, 0, :]  # [T, K]
    projected = selected @ proj_w.T + proj_b  # [T, d_model]
    # dropout = identity (eval mode)
    return projected.reshape(bs, seq, d), balance_loss

if __name__ == "__main__":
    import jax
    _d = setup_inputs()
    print(jax.jit(kernel)(*tuple(_d.values())))

</pallas_src>

<mosaic_0001>
#map = affine_map<(d0, d1) -> (0, 0)>
#map1 = affine_map<(d0, d1) -> (0)>
module attributes {stable_mosaic.version = 14 : i64} {
  func.func @k(%arg0: i32, %arg1: i32, %arg2: memref<4096x1024xf32, #tpu.memory_space<hbm>>, %arg3: memref<2048xi32, #tpu.memory_space<hbm>>, %arg4: memref<2048x1024xf32, #tpu.memory_space<hbm>>, %arg5: memref<64xi32, #tpu.memory_space<vmem>>, %arg6: memref<64x1024xf32, #tpu.memory_space<vmem>>, %arg7: memref<!tpu.dma_semaphore, #tpu.memory_space<semaphore_mem>>) attributes {dimension_semantics = [#tpu.dimension_semantics<core_parallel>, #tpu.dimension_semantics<subcore_parallel>], iteration_bounds = array<i64: 2, 16>, scalar_prefetch = 0 : i64, scratch_operands = 3 : i64, tpu.core_type = #tpu.core_type<sc_vector_subcore>, window_params = [{transform_indices = #map}, {transform_indices = #map1}, {transform_indices = #map}]} {
    %mul3A = arith.constant 2 : i32
    %mul3A_0 = arith.muli %arg1, %mul3A : i32
    %add3A = arith.addi %mul3A_0, %arg0 : i32
    %mul3A_1 = arith.constant 64 : i32
    %mul3A_2 = arith.muli %add3A, %mul3A_1 : i32
    "tpu.region"() ({
      %run_scoped3A = tpu.sem_alloc : memref<!tpu.dma_semaphore, #tpu.memory_space<semaphore_mem>>
      %dma_start3A_7 = tpu.memref_slice %arg3[%mul3A_2] : memref<2048xi32, #tpu.memory_space<hbm>> -> memref<64xi32, #tpu.memory_space<hbm>>
      %dma_start3A_8 = tpu.memref_slice %arg3[%mul3A_2] : memref<2048xi32, #tpu.memory_space<hbm>> -> memref<64xi32, #tpu.memory_space<hbm>>
      tpu.enqueue_dma source(%dma_start3A_8 : memref<64xi32, #tpu.memory_space<hbm>>) target(%arg5 : memref<64xi32, #tpu.memory_space<vmem>>) target_semaphore(%run_scoped3A : memref<!tpu.dma_semaphore, #tpu.memory_space<semaphore_mem>>)
      %dma_wait3A_9 = tpu.memref_slice %arg3[%mul3A_2] : memref<2048xi32, #tpu.memory_space<hbm>> -> memref<64xi32, #tpu.memory_space<hbm>>
      %dma_wait3A_10 = tpu.memref_slice %arg3[%mul3A_2] : memref<2048xi32, #tpu.memory_space<hbm>> -> memref<64xi32, #tpu.memory_space<hbm>>
      tpu.wait_dma2 semaphore(%run_scoped3A : memref<!tpu.dma_semaphore, #tpu.memory_space<semaphore_mem>>) src(%dma_wait3A_10 : memref<64xi32, #tpu.memory_space<hbm>>) dst(%arg5 : memref<64xi32, #tpu.memory_space<vmem>>)
      tpu.yield
    }) : () -> ()
    %dma_start3A = arith.constant 0 : i32
    %dma_start3A_3 = arith.constant 0 : i32
    %dma_start3A_4 = tpu.memref_slice %arg2[%dma_start3A, %dma_start3A_3] : memref<4096x1024xf32, #tpu.memory_space<hbm>> -> memref<4096x1024xf32, #tpu.memory_space<hbm>>
    tpu.enqueue_indirect_dma source(%dma_start3A_4 : memref<4096x1024xf32, #tpu.memory_space<hbm>>) target(%arg6 : memref<64x1024xf32, #tpu.memory_space<vmem>>) offsets(%arg5 : memref<64xi32, #tpu.memory_space<vmem>>) semaphore(%arg7 : memref<!tpu.dma_semaphore, #tpu.memory_space<semaphore_mem>>)
    %dma_wait3A = arith.constant 0 : i32
    %dma_wait3A_5 = arith.constant 0 : i32
    %dma_wait3A_6 = tpu.memref_slice %arg2[%dma_wait3A, %dma_wait3A_5] : memref<4096x1024xf32, #tpu.memory_space<hbm>> -> memref<4096x1024xf32, #tpu.memory_space<hbm>>
    tpu.wait_indirect_dma semaphore(%arg7 : memref<!tpu.dma_semaphore, #tpu.memory_space<semaphore_mem>>) src(%dma_wait3A_6 : memref<4096x1024xf32, #tpu.memory_space<hbm>>) dst(%arg6 : memref<64x1024xf32, #tpu.memory_space<vmem>>)
    "tpu.region"() ({
      %run_scoped3A = tpu.sem_alloc : memref<!tpu.dma_semaphore, #tpu.memory_space<semaphore_mem>>
      %dma_start3A_7 = arith.constant 0 : i32
      %dma_start3A_8 = tpu.memref_slice %arg4[%mul3A_2, %dma_start3A_7] : memref<2048x1024xf32, #tpu.memory_space<hbm>> -> memref<64x1024xf32, #tpu.memory_space<hbm>>
      %dma_start3A_9 = arith.constant 0 : i32
      %dma_start3A_10 = tpu.memref_slice %arg4[%mul3A_2, %dma_start3A_9] : memref<2048x1024xf32, #tpu.memory_space<hbm>> -> memref<64x1024xf32, #tpu.memory_space<hbm>>
      tpu.enqueue_dma source(%arg6 : memref<64x1024xf32, #tpu.memory_space<vmem>>) target(%dma_start3A_10 : memref<64x1024xf32, #tpu.memory_space<hbm>>) target_semaphore(%run_scoped3A : memref<!tpu.dma_semaphore, #tpu.memory_space<semaphore_mem>>)
      %dma_wait3A_11 = arith.constant 0 : i32
      %dma_wait3A_12 = tpu.memref_slice %arg4[%mul3A_2, %dma_wait3A_11] : memref<2048x1024xf32, #tpu.memory_space<hbm>> -> memref<64x1024xf32, #tpu.memory_space<hbm>>
      %dma_wait3A_13 = arith.constant 0 : i32
      %dma_wait3A_14 = tpu.memref_slice %arg4[%mul3A_2, %dma_wait3A_13] : memref<2048x1024xf32, #tpu.memory_space<hbm>> -> memref<64x1024xf32, #tpu.memory_space<hbm>>
      tpu.wait_dma2 semaphore(%run_scoped3A : memref<!tpu.dma_semaphore, #tpu.memory_space<semaphore_mem>>) src(%arg6 : memref<64x1024xf32, #tpu.memory_space<vmem>>) dst(%dma_wait3A_14 : memref<64x1024xf32, #tpu.memory_space<hbm>>)
      tpu.yield
    }) : () -> ()
    return
  }
}

#map = affine_map<(d0, d1) -> (0, 0)>
#map1 = affine_map<(d0, d1) -> (0)>
module attributes {stable_mosaic.version = 14 : i64} {
  func.func @k(%arg0: i32, %arg1: i32, %arg2: memref<2048x1024xf32, #tpu.memory_space<hbm>>, %arg3: memref<2048xi32, #tpu.memory_space<hbm>>, %arg4: memref<4096x1024xf32, #tpu.memory_space<hbm>>, %arg5: memref<64xi32, #tpu.memory_space<vmem>>, %arg6: memref<64x1024xf32, #tpu.memory_space<vmem>>, %arg7: memref<!tpu.dma_semaphore, #tpu.memory_space<semaphore_mem>>) attributes {dimension_semantics = [#tpu.dimension_semantics<core_parallel>, #tpu.dimension_semantics<subcore_parallel>], iteration_bounds = array<i64: 2, 16>, scalar_prefetch = 0 : i64, scratch_operands = 3 : i64, tpu.core_type = #tpu.core_type<sc_vector_subcore>, window_params = [{transform_indices = #map}, {transform_indices = #map1}, {transform_indices = #map}]} {
    %mul3A = arith.constant 2 : i32
    %mul3A_0 = arith.muli %arg1, %mul3A : i32
    %add3A = arith.addi %mul3A_0, %arg0 : i32
    %mul3A_1 = arith.constant 64 : i32
    %mul3A_2 = arith.muli %add3A, %mul3A_1 : i32
    "tpu.region"() ({
      %run_scoped3A = tpu.sem_alloc : memref<!tpu.dma_semaphore, #tpu.memory_space<semaphore_mem>>
      %dma_start3A_7 = tpu.memref_slice %arg3[%mul3A_2] : memref<2048xi32, #tpu.memory_space<hbm>> -> memref<64xi32, #tpu.memory_space<hbm>>
      %dma_start3A_8 = tpu.memref_slice %arg3[%mul3A_2] : memref<2048xi32, #tpu.memory_space<hbm>> -> memref<64xi32, #tpu.memory_space<hbm>>
      tpu.enqueue_dma source(%dma_start3A_8 : memref<64xi32, #tpu.memory_space<hbm>>) target(%arg5 : memref<64xi32, #tpu.memory_space<vmem>>) target_semaphore(%run_scoped3A : memref<!tpu.dma_semaphore, #tpu.memory_space<semaphore_mem>>)
      %dma_wait3A_9 = tpu.memref_slice %arg3[%mul3A_2] : memref<2048xi32, #tpu.memory_space<hbm>> -> memref<64xi32, #tpu.memory_space<hbm>>
      %dma_wait3A_10 = tpu.memref_slice %arg3[%mul3A_2] : memref<2048xi32, #tpu.memory_space<hbm>> -> memref<64xi32, #tpu.memory_space<hbm>>
      tpu.wait_dma2 semaphore(%run_scoped3A : memref<!tpu.dma_semaphore, #tpu.memory_space<semaphore_mem>>) src(%dma_wait3A_10 : memref<64xi32, #tpu.memory_space<hbm>>) dst(%arg5 : memref<64xi32, #tpu.memory_space<vmem>>)
      tpu.yield
    }) : () -> ()
    "tpu.region"() ({
      %run_scoped3A = tpu.sem_alloc : memref<!tpu.dma_semaphore, #tpu.memory_space<semaphore_mem>>
      %dma_start3A_7 = arith.constant 0 : i32
      %dma_start3A_8 = tpu.memref_slice %arg2[%mul3A_2, %dma_start3A_7] : memref<2048x1024xf32, #tpu.memory_space<hbm>> -> memref<64x1024xf32, #tpu.memory_space<hbm>>
      %dma_start3A_9 = arith.constant 0 : i32
      %dma_start3A_10 = tpu.memref_slice %arg2[%mul3A_2, %dma_start3A_9] : memref<2048x1024xf32, #tpu.memory_space<hbm>> -> memref<64x1024xf32, #tpu.memory_space<hbm>>
      tpu.enqueue_dma source(%dma_start3A_10 : memref<64x1024xf32, #tpu.memory_space<hbm>>) target(%arg6 : memref<64x1024xf32, #tpu.memory_space<vmem>>) target_semaphore(%run_scoped3A : memref<!tpu.dma_semaphore, #tpu.memory_space<semaphore_mem>>)
      %dma_wait3A_11 = arith.constant 0 : i32
      %dma_wait3A_12 = tpu.memref_slice %arg2[%mul3A_2, %dma_wait3A_11] : memref<2048x1024xf32, #tpu.memory_space<hbm>> -> memref<64x1024xf32, #tpu.memory_space<hbm>>
      %dma_wait3A_13 = arith.constant 0 : i32
      %dma_wait3A_14 = tpu.memref_slice %arg2[%mul3A_2, %dma_wait3A_13] : memref<2048x1024xf32, #tpu.memory_space<hbm>> -> memref<64x1024xf32, #tpu.memory_space<hbm>>
      tpu.wait_dma2 semaphore(%run_scoped3A : memref<!tpu.dma_semaphore, #tpu.memory_space<semaphore_mem>>) src(%dma_wait3A_14 : memref<64x1024xf32, #tpu.memory_space<hbm>>) dst(%arg6 : memref<64x1024xf32, #tpu.memory_space<vmem>>)
      tpu.yield
    }) : () -> ()
    %dma_start3A = arith.constant 0 : i32
    %dma_start3A_3 = arith.constant 0 : i32
    %dma_start3A_4 = tpu.memref_slice %arg4[%dma_start3A, %dma_start3A_3] : memref<4096x1024xf32, #tpu.memory_space<hbm>> -> memref<4096x1024xf32, #tpu.memory_space<hbm>>
    tpu.enqueue_indirect_dma source(%arg6 : memref<64x1024xf32, #tpu.memory_space<vmem>>) target(%dma_start3A_4 : memref<4096x1024xf32, #tpu.memory_space<hbm>>) offsets(%arg5 : memref<64xi32, #tpu.memory_space<vmem>>) semaphore(%arg7 : memref<!tpu.dma_semaphore, #tpu.memory_space<semaphore_mem>>)
    %dma_wait3A = arith.constant 0 : i32
    %dma_wait3A_5 = arith.constant 0 : i32
    %dma_wait3A_6 = tpu.memref_slice %arg4[%dma_wait3A, %dma_wait3A_5] : memref<4096x1024xf32, #tpu.memory_space<hbm>> -> memref<4096x1024xf32, #tpu.memory_space<hbm>>
    tpu.wait_indirect_dma semaphore(%arg7 : memref<!tpu.dma_semaphore, #tpu.memory_space<semaphore_mem>>) src(%arg6 : memref<64x1024xf32, #tpu.memory_space<vmem>>) dst(%dma_wait3A_6 : memref<4096x1024xf32, #tpu.memory_space<hbm>>)
    return
  }
}

module attributes {stable_mosaic.version = 14 : i64} {
  func.func @_gating_body(%arg0: memref<2048x1024xf32, #tpu.memory_space<vmem>>, %arg1: memref<16x1024xf32, #tpu.memory_space<vmem>>, %arg2: memref<1x16xf32, #tpu.memory_space<vmem>>, %arg3: memref<8x8xf32, #tpu.memory_space<vmem>>, %arg4: memref<1x2048xi32, #tpu.memory_space<vmem>>, %arg5: memref<3x16xi32, #tpu.memory_space<vmem>>, %arg6: memref<1x1xf32, #tpu.memory_space<vmem>>) attributes {dimension_semantics = [], scalar_prefetch = 0 : i64, scratch_operands = 0 : i64, tpu.core_type = #tpu.core_type<tc>} {
    %get3A = arith.constant 0 : index
    %get3A_0 = arith.constant 0 : index
    %get3A_1 = vector.load %arg0[%get3A, %get3A_0] : memref<2048x1024xf32, #tpu.memory_space<vmem>>, vector<2048x1024xf32>
    %get3A_2 = arith.constant 0 : index
    %get3A_3 = arith.constant 0 : index
    %get3A_4 = vector.load %arg1[%get3A_2, %get3A_3] : memref<16x1024xf32, #tpu.memory_space<vmem>>, vector<16x1024xf32>
    %dot_general3A = arith.constant dense<0.000000e+00> : vector<2048x16xf32>
    %dot_general3A_5 = tpu.matmul %get3A_1, %get3A_4, %dot_general3A {dimension_numbers = #tpu.dot_dimension_numbers<[1], [1], [0], [0], [0, 0, 1, 0], [], []>, transpose_lhs_hint = false} : vector<2048x1024xf32>, vector<16x1024xf32>, vector<2048x16xf32> -> vector<2048x16xf32>
    %get3A_6 = arith.constant 0 : index
    %get3A_7 = arith.constant 0 : index
    %get3A_8 = vector.load %arg2[%get3A_6, %get3A_7] : memref<1x16xf32, #tpu.memory_space<vmem>>, vector<1x16xf32>
    %add3A = vector.broadcast %get3A_8 : vector<1x16xf32> to vector<2048x16xf32>
    %add3A_9 = arith.addf %dot_general3A_5, %add3A : vector<2048x16xf32>
    %slice3A = vector.extract_strided_slice %add3A_9 {offsets = [0, 0], sizes = [2048, 8], strides = [1, 1]} : vector<2048x16xf32> to vector<2048x8xf32>
    %slice3A_10 = vector.extract_strided_slice %add3A_9 {offsets = [0, 8], sizes = [2048, 8], strides = [1, 1]} : vector<2048x16xf32> to vector<2048x8xf32>
    %logistic3A = arith.negf %slice3A_10 : vector<2048x8xf32>
    %logistic3A_11 = math.exp %logistic3A : vector<2048x8xf32>
    %logistic3A_12 = arith.constant 1.000000e+00 : f32
    %logistic3A_13 = vector.broadcast %logistic3A_12 : f32 to vector<2048x8xf32>
    %logistic3A_14 = arith.addf %logistic3A_13, %logistic3A_11 : vector<2048x8xf32>
    %logistic3A_15 = arith.divf %logistic3A_13, %logistic3A_14 : vector<2048x8xf32>
    %mul3A = arith.mulf %slice3A, %logistic3A_15 : vector<2048x8xf32>
    %get3A_16 = arith.constant 0 : index
    %get3A_17 = arith.constant 0 : index
    %get3A_18 = vector.load %arg3[%get3A_16, %get3A_17] : memref<8x8xf32, #tpu.memory_space<vmem>>, vector<8x8xf32>
    %dot_general3A_19 = arith.constant dense<0.000000e+00> : vector<8x2048xf32>
    %dot_general3A_20 = tpu.matmul %get3A_18, %mul3A, %dot_general3A_19 {dimension_numbers = #tpu.dot_dimension_numbers<[1], [1], [0], [0], [0, 0, 1, 0], [], []>, transpose_lhs_hint = false} : vector<8x8xf32>, vector<2048x8xf32>, vector<8x2048xf32> -> vector<8x2048xf32>
    %iota3A = tpu.iota {dimensions = array<i32: 0>} : vector<8x2048xi32>
    %reduce_max3A = arith.constant dense<0xFF800000> : vector<2048xf32>
    %reduce_max3A_21 = vector.multi_reduction <maximumf>, %dot_general3A_20, %reduce_max3A [0] : vector<8x2048xf32> to vector<2048xf32>
    %broadcast_in_dim3A = vector.shape_cast %reduce_max3A_21 : vector<2048xf32> to vector<1x2048xf32>
    %eq3A = vector.broadcast %broadcast_in_dim3A : vector<1x2048xf32> to vector<8x2048xf32>
    %eq3A_22 = arith.cmpf oeq, %dot_general3A_20, %eq3A : vector<8x2048xf32>
    %jit3A = arith.constant 8 : i32
    %broadcast_in_dim3A_23 = vector.broadcast %jit3A : i32 to vector<8x2048xi32>
    %select_n3A = arith.select %eq3A_22, %iota3A, %broadcast_in_dim3A_23 : vector<8x2048xi1>, vector<8x2048xi32>
    %reduce_min3A = arith.constant dense<2147483647> : vector<2048xi32>
    %reduce_min3A_24 = vector.multi_reduction <minsi>, %select_n3A, %reduce_min3A [0] : vector<8x2048xi32> to vector<2048xi32>
    %broadcast_in_dim3A_25 = vector.shape_cast %reduce_min3A_24 : vector<2048xi32> to vector<1x2048xi32>
    %eq3A_26 = vector.broadcast %broadcast_in_dim3A_25 : vector<1x2048xi32> to vector<8x2048xi32>
    %eq3A_27 = arith.cmpi eq, %iota3A, %eq3A_26 : vector<8x2048xi32>
    %convert_element_type3A = arith.extui %eq3A_27 : vector<8x2048xi1> to vector<8x2048xi32>
    %convert_element_type3A_28 = arith.sitofp %convert_element_type3A : vector<8x2048xi32> to vector<8x2048xf32>
    %reduce_sum3A = arith.constant dense<0.000000e+00> : vector<8xf32>
    %reduce_sum3A_29 = vector.multi_reduction <add>, %convert_element_type3A_28, %reduce_sum3A [1] : vector<8x2048xf32> to vector<8xf32>
    %broadcast_in_dim3A_30 = vector.shape_cast %reduce_sum3A_29 : vector<8xf32> to vector<8x1xf32>
    %mul3A_31 = arith.constant 4.8828125E-4 : f32
    %mul3A_32 = vector.broadcast %mul3A_31 : f32 to vector<8x1xf32>
    %mul3A_33 = arith.mulf %broadcast_in_dim3A_30, %mul3A_32 : vector<8x1xf32>
    %add3A_34 = arith.constant 1.000000e-10 : f32
    %add3A_35 = vector.broadcast %add3A_34 : f32 to vector<8x1xf32>
    %add3A_36 = arith.addf %mul3A_33, %add3A_35 : vector<8x1xf32>
    %log3A = math.log %add3A_36 : vector<8x1xf32>
    %mul3A_37 = arith.mulf %mul3A_33, %log3A : vector<8x1xf32>
    %reduce_sum3A_38 = arith.constant dense<0.000000e+00> : vector<1xf32>
    %reduce_sum3A_39 = vector.multi_reduction <add>, %mul3A_37, %reduce_sum3A_38 [0] : vector<8x1xf32> to vector<1xf32>
    %broadcast_in_dim3A_40 = vector.shape_cast %reduce_sum3A_39 : vector<1xf32> to vector<1x1xf32>
    %mul3A_41 = arith.constant -0.00999999977 : f32
    %mul3A_42 = vector.broadcast %mul3A_41 : f32 to vector<1x1xf32>
    %mul3A_43 = arith.mulf %broadcast_in_dim3A_40, %mul3A_42 : vector<1x1xf32>
    %swap3A = arith.constant 0 : index
    %swap3A_44 = arith.constant 0 : index
    %swap3A_45 = vector.load %arg6[%swap3A, %swap3A_44] : memref<1x1xf32, #tpu.memory_space<vmem>>, vector<1x1xf32>
    tpu.vector_store %arg6[%swap3A, %swap3A_44], %mul3A_43 {strides = array<i32>} : memref<1x1xf32, #tpu.memory_space<vmem>>, vector<1x1xf32>,
    %iota3A_46 = tpu.iota {dimensions = array<i32: 0>} : vector<128x128xi32>
    %iota3A_47 = tpu.iota {dimensions = array<i32: 1>} : vector<128x128xi32>
    %lt3A = arith.cmpi slt, %iota3A_46, %iota3A_47 : vector<128x128xi32>
    %convert_element_type3A_48 = arith.extui %lt3A : vector<128x128xi1> to vector<128x128xi32>
    %convert_element_type3A_49 = arith.sitofp %convert_element_type3A_48 : vector<128x128xi32> to vector<128x128xf32>
    %slice3A_50 = vector.extract_strided_slice %convert_element_type3A_28 {offsets = [0, 0], sizes = [8, 128], strides = [1, 1]} : vector<8x2048xf32> to vector<8x128xf32>
    %dot_general3A_51 = arith.constant dense<0.000000e+00> : vector<8x128xf32>
    %dot_general3A_52 = tpu.matmul %slice3A_50, %convert_element_type3A_49, %dot_general3A_51 {dimension_numbers = #tpu.dot_dimension_numbers<[1], [0], [0], [1], [0, 0, 1, 1], [], []>, transpose_lhs_hint = false} : vector<8x128xf32>, vector<128x128xf32>, vector<8x128xf32> -> vector<8x128xf32>
    %slice3A_53 = vector.extract_strided_slice %convert_element_type3A_28 {offsets = [0, 128], sizes = [8, 128], strides = [1, 1]} : vector<8x2048xf32> to vector<8x128xf32>
    %dot_general3A_54 = arith.constant dense<0.000000e+00> : vector<8x128xf32>
    %dot_general3A_55 = tpu.matmul %slice3A_53, %convert_element_type3A_49, %dot_general3A_54 {dimension_numbers = #tpu.dot_dimension_numbers<[1], [0], [0], [1], [0, 0, 1, 1], [], []>, transpose_lhs_hint = false} : vector<8x128xf32>, vector<128x128xf32>, vector<8x128xf32> -> vector<8x128xf32>
    %slice3A_56 = vector.extract_strided_slice %convert_element_type3A_28 {offsets = [0, 256], sizes = [8, 128], strides = [1, 1]} : vector<8x2048xf32> to vector<8x128xf32>
    %dot_general3A_57 = arith.constant dense<0.000000e+00> : vector<8x128xf32>
    %dot_general3A_58 = tpu.matmul %slice3A_56, %convert_element_type3A_49, %dot_general3A_57 {dimension_numbers = #tpu.dot_dimension_numbers<[1], [0], [0], [1], [0, 0, 1, 1], [], []>, transpose_lhs_hint = false} : vector<8x128xf32>, vector<128x128xf32>, vector<8x128xf32> -> vector<8x128xf32>
    %slice3A_59 = vector.extract_strided_slice %convert_element_type3A_28 {offsets = [0, 384], sizes = [8, 128], strides = [1, 1]} : vector<8x2048xf32> to vector<8x128xf32>
    %dot_general3A_60 = arith.constant dense<0.000000e+00> : vector<8x128xf32>
    %dot_general3A_61 = tpu.matmul %slice3A_59, %convert_element_type3A_49, %dot_general3A_60 {dimension_numbers = #tpu.dot_dimension_numbers<[1], [0], [0], [1], [0, 0, 1, 1], [], []>, transpose_lhs_hint = false} : vector<8x128xf32>, vector<128x128xf32>, vector<8x128xf32> -> vector<8x128xf32>
    %slice3A_62 = vector.extract_strided_slice %convert_element_type3A_28 {offsets = [0, 512], sizes = [8, 128], strides = [1, 1]} : vector<8x2048xf32> to vector<8x128xf32>
    %dot_general3A_63 = arith.constant dense<0.000000e+00> : vector<8x128xf32>
    %dot_general3A_64 = tpu.matmul %slice3A_62, %convert_element_type3A_49, %dot_general3A_63 {dimension_numbers = #tpu.dot_dimension_numbers<[1], [0], [0], [1], [0, 0, 1, 1], [], []>, transpose_lhs_hint = false} : vector<8x128xf32>, vector<128x128xf32>, vector<8x128xf32> -> vector<8x128xf32>
    %slice3A_65 = vector.extract_strided_slice %convert_element_type3A_28 {offsets = [0, 640], sizes = [8, 128], strides = [1, 1]} : vector<8x2048xf32> to vector<8x128xf32>
    %dot_general3A_66 = arith.constant dense<0.000000e+00> : vector<8x128xf32>
    %dot_general3A_67 = tpu.matmul %slice3A_65, %convert_element_type3A_49, %dot_general3A_66 {dimension_numbers = #tpu.dot_dimension_numbers<[1], [0], [0], [1], [0, 0, 1, 1], [], []>, transpose_lhs_hint = false} : vector<8x128xf32>, vector<128x128xf32>, vector<8x128xf32> -> vector<8x128xf32>
    %slice3A_68 = vector.extract_strided_slice %convert_element_type3A_28 {offsets = [0, 768], sizes = [8, 128], strides = [1, 1]} : vector<8x2048xf32> to vector<8x128xf32>
    %dot_general3A_69 = arith.constant dense<0.000000e+00> : vector<8x128xf32>
    %dot_general3A_70 = tpu.matmul %slice3A_68, %convert_element_type3A_49, %dot_general3A_69 {dimension_numbers = #tpu.dot_dimension_numbers<[1], [0], [0], [1], [0, 0, 1, 1], [], []>, transpose_lhs_hint = false} : vector<8x128xf32>, vector<128x128xf32>, vector<8x128xf32> -> vector<8x128xf32>
    %slice3A_71 = vector.extract_strided_slice %convert_element_type3A_28 {offsets = [0, 896], sizes = [8, 128], strides = [1, 1]} : vector<8x2048xf32> to vector<8x128xf32>
    %dot_general3A_72 = arith.constant dense<0.000000e+00> : vector<8x128xf32>
    %dot_general3A_73 = tpu.matmul %slice3A_71, %convert_element_type3A_49, %dot_general3A_72 {dimension_numbers = #tpu.dot_dimension_numbers<[1], [0], [0], [1], [0, 0, 1, 1], [], []>, transpose_lhs_hint = false} : vector<8x128xf32>, vector<128x128xf32>, vector<8x128xf32> -> vector<8x128xf32>
    %slice3A_74 = vector.extract_strided_slice %convert_element_type3A_28 {offsets = [0, 1024], sizes = [8, 128], strides = [1, 1]} : vector<8x2048xf32> to vector<8x128xf32>
    %dot_general3A_75 = arith.constant dense<0.000000e+00> : vector<8x128xf32>
    %dot_general3A_76 = tpu.matmul %slice3A_74, %convert_element_type3A_49, %dot_general3A_75 {dimension_numbers = #tpu.dot_dimension_numbers<[1], [0], [0], [1], [0, 0, 1, 1], [], []>, transpose_lhs_hint = false} : vector<8x128xf32>, vector<128x128xf32>, vector<8x128xf32> -> vector<8x128xf32>
    %slice3A_77 = vector.extract_strided_slice %convert_element_type3A_28 {offsets = [0, 1152], sizes = [8, 128], strides = [1, 1]} : vector<8x2048xf32> to vector<8x128xf32>
    %dot_general3A_78 = arith.constant dense<0.000000e+00> : vector<8x128xf32>
    %dot_general3A_79 = tpu.matmul %slice3A_77, %convert_element_type3A_49, %dot_general3A_78 {dimension_numbers = #tpu.dot_dimension_numbers<[1], [0], [0], [1], [0, 0, 1, 1], [], []>, transpose_lhs_hint = false} : vector<8x128xf32>, vector<128x128xf32>, vector<8x128xf32> -> vector<8x128xf32>
    %slice3A_80 = vector.extract_strided_slice %convert_element_type3A_28 {offsets = [0, 1280], sizes = [8, 128], strides = [1, 1]} : vector<8x2048xf32> to vector<8x128xf32>
    %dot_general3A_81 = arith.constant dense<0.000000e+00> : vector<8x128xf32>
    %dot_general3A_82 = tpu.matmul %slice3A_80, %convert_element_type3A_49, %dot_general3A_81 {dimension_numbers = #tpu.dot_dimension_numbers<[1], [0], [0], [1], [0, 0, 1, 1], [], []>, transpose_lhs_hint = false} : vector<8x128xf32>, vector<128x128xf32>, vector<8x128xf32> -> vector<8x128xf32>
    %slice3A_83 = vector.extract_strided_slice %convert_element_type3A_28 {offsets = [0, 1408], sizes = [8, 128], strides = [1, 1]} : vector<8x2048xf32> to vector<8x128xf32>
    %dot_general3A_84 = arith.constant dense<0.000000e+00> : vector<8x128xf32>
    %dot_general3A_85 = tpu.matmul %slice3A_83, %convert_element_type3A_49, %dot_general3A_84 {dimension_numbers = #tpu.dot_dimension_numbers<[1], [0], [0], [1], [0, 0, 1, 1], [], []>, transpose_lhs_hint = false} : vector<8x128xf32>, vector<128x128xf32>, vector<8x128xf32> -> vector<8x128xf32>
    %slice3A_86 = vector.extract_strided_slice %convert_element_type3A_28 {offsets = [0, 1536], sizes = [8, 128], strides = [1, 1]} : vector<8x2048xf32> to vector<8x128xf32>
    %dot_general3A_87 = arith.constant dense<0.000000e+00> : vector<8x128xf32>
    %dot_general3A_88 = tpu.matmul %slice3A_86, %convert_element_type3A_49, %dot_general3A_87 {dimension_numbers = #tpu.dot_dimension_numbers<[1], [0], [0], [1], [0, 0, 1, 1], [], []>, transpose_lhs_hint = false} : vector<8x128xf32>, vector<128x128xf32>, vector<8x128xf32> -> vector<8x128xf32>
    %slice3A_89 = vector.extract_strided_slice %convert_element_type3A_28 {offsets = [0, 1664], sizes = [8, 128], strides = [1, 1]} : vector<8x2048xf32> to vector<8x128xf32>
    %dot_general3A_90 = arith.constant dense<0.000000e+00> : vector<8x128xf32>
    %dot_general3A_91 = tpu.matmul %slice3A_89, %convert_element_type3A_49, %dot_general3A_90 {dimension_numbers = #tpu.dot_dimension_numbers<[1], [0], [0], [1], [0, 0, 1, 1], [], []>, transpose_lhs_hint = false} : vector<8x128xf32>, vector<128x128xf32>, vector<8x128xf32> -> vector<8x128xf32>
    %slice3A_92 = vector.extract_strided_slice %convert_element_type3A_28 {offsets = [0, 1792], sizes = [8, 128], strides = [1, 1]} : vector<8x2048xf32> to vector<8x128xf32>
    %dot_general3A_93 = arith.constant dense<0.000000e+00> : vector<8x128xf32>
    %dot_general3A_94 = tpu.matmul %slice3A_92, %convert_element_type3A_49, %dot_general3A_93 {dimension_numbers = #tpu.dot_dimension_numbers<[1], [0], [0], [1], [0, 0, 1, 1], [], []>, transpose_lhs_hint = false} : vector<8x128xf32>, vector<128x128xf32>, vector<8x128xf32> -> vector<8x128xf32>
    %slice3A_95 = vector.extract_strided_slice %convert_element_type3A_28 {offsets = [0, 1920], sizes = [8, 128], strides = [1, 1]} : vector<8x2048xf32> to vector<8x128xf32>
    %dot_general3A_96 = arith.constant dense<0.000000e+00> : vector<8x128xf32>
    %dot_general3A_97 = tpu.matmul %slice3A_95, %convert_element_type3A_49, %dot_general3A_96 {dimension_numbers = #tpu.dot_dimension_numbers<[1], [0], [0], [1], [0, 0, 1, 1], [], []>, transpose_lhs_hint = false} : vector<8x128xf32>, vector<128x128xf32>, vector<8x128xf32> -> vector<8x128xf32>
    %concatenate3A = tpu.concatenate %dot_general3A_52, %dot_general3A_55, %dot_general3A_58, %dot_general3A_61, %dot_general3A_64, %dot_general3A_67, %dot_general3A_70, %dot_general3A_73, %dot_general3A_76, %dot_general3A_79, %dot_general3A_82, %dot_general3A_85, %dot_general3A_88, %dot_general3A_91, %dot_general3A_94, %dot_general3A_97 in 1 : vector<8x128xf32>, vector<8x128xf32>, vector<8x128xf32>, vector<8x128xf32>, vector<8x128xf32>, vector<8x128xf32>, vector<8x128xf32>, vector<8x128xf32>, vector<8x128xf32>, vector<8x128xf32>, vector<8x128xf32>, vector<8x128xf32>, vector<8x128xf32>, vector<8x128xf32>, vector<8x128xf32>, vector<8x128xf32> -> vector<8x2048xf32>
    %iota3A_98 = tpu.iota {dimensions = array<i32: 0>} : vector<2048x16xi32>
    %iota3A_99 = tpu.iota {dimensions = array<i32: 1>} : vector<2048x16xi32>
    %jit3A_100 = arith.constant 128 : i32
    %div3A = vector.broadcast %jit3A_100 : i32 to vector<2048x16xi32>
    %div3A_101 = arith.divsi %iota3A_98, %div3A : vector<2048x16xi32>
    %sign3A = arith.constant 0 : i32
    %sign3A_102 = vector.broadcast %sign3A : i32 to vector<2048x16xi32>
    %sign3A_103 = arith.cmpi sgt, %iota3A_98, %sign3A_102 : vector<2048x16xi32>
    %sign3A_104 = arith.extui %sign3A_103 : vector<2048x16xi1> to vector<2048x16xi32>
    %sign3A_105 = arith.constant 0 : i32
    %sign3A_106 = vector.broadcast %sign3A_105 : i32 to vector<2048x16xi32>
    %sign3A_107 = arith.cmpi slt, %iota3A_98, %sign3A_106 : vector<2048x16xi32>
    %sign3A_108 = arith.extui %sign3A_107 : vector<2048x16xi1> to vector<2048x16xi32>
    %sign3A_109 = arith.subi %sign3A_104, %sign3A_108 : vector<2048x16xi32>
    %sign3A_110 = arith.constant 0 : i32
    %sign3A_111 = arith.cmpi sgt, %jit3A_100, %sign3A_110 : i32
    %sign3A_112 = arith.extui %sign3A_111 : i1 to i32
    %sign3A_113 = arith.constant 0 : i32
    %sign3A_114 = arith.cmpi slt, %jit3A_100, %sign3A_113 : i32
    %sign3A_115 = arith.extui %sign3A_114 : i1 to i32
    %sign3A_116 = arith.subi %sign3A_112, %sign3A_115 : i32
    %ne3A = vector.broadcast %sign3A_116 : i32 to vector<2048x16xi32>
    %ne3A_117 = arith.cmpi ne, %sign3A_109, %ne3A : vector<2048x16xi32>
    %rem3A = vector.broadcast %jit3A_100 : i32 to vector<2048x16xi32>
    %rem3A_118 = arith.remsi %iota3A_98, %rem3A : vector<2048x16xi32>
    %ne3A_119 = arith.constant 0 : i32
    %ne3A_120 = vector.broadcast %ne3A_119 : i32 to vector<2048x16xi32>
    %ne3A_121 = arith.cmpi ne, %rem3A_118, %ne3A_120 : vector<2048x16xi32>
    %and3A = arith.andi %ne3A_117, %ne3A_121 : vector<2048x16xi1>
    %sub3A = arith.constant 1 : i32
    %sub3A_122 = vector.broadcast %sub3A : i32 to vector<2048x16xi32>
    %sub3A_123 = arith.subi %div3A_101, %sub3A_122 : vector<2048x16xi32>
    %select_n3A_124 = arith.select %and3A, %sub3A_123, %div3A_101 : vector<2048x16xi1>, vector<2048x16xi32>
    %eq3A_125 = arith.cmpi eq, %select_n3A_124, %iota3A_99 : vector<2048x16xi32>
    %convert_element_type3A_126 = arith.extui %eq3A_125 : vector<2048x16xi1> to vector<2048x16xi32>
    %convert_element_type3A_127 = arith.sitofp %convert_element_type3A_126 : vector<2048x16xi32> to vector<2048x16xf32>
    %dot_general3A_128 = arith.constant dense<0.000000e+00> : vector<8x16xf32>
    %dot_general3A_129 = tpu.matmul %convert_element_type3A_28, %convert_element_type3A_127, %dot_general3A_128 {dimension_numbers = #tpu.dot_dimension_numbers<[1], [0], [0], [1], [0, 0, 1, 1], [], []>, transpose_lhs_hint = false} : vector<8x2048xf32>, vector<2048x16xf32>, vector<8x16xf32> -> vector<8x16xf32>
    %iota3A_130 = tpu.iota {dimensions = array<i32: 0>} : vector<16x16xi32>
    %iota3A_131 = tpu.iota {dimensions = array<i32: 1>} : vector<16x16xi32>
    %lt3A_132 = arith.cmpi slt, %iota3A_130, %iota3A_131 : vector<16x16xi32>
    %convert_element_type3A_133 = arith.extui %lt3A_132 : vector<16x16xi1> to vector<16x16xi32>
    %convert_element_type3A_134 = arith.sitofp %convert_element_type3A_133 : vector<16x16xi32> to vector<16x16xf32>
    %dot_general3A_135 = arith.constant dense<0.000000e+00> : vector<8x16xf32>
    %dot_general3A_136 = tpu.matmul %dot_general3A_129, %convert_element_type3A_134, %dot_general3A_135 {dimension_numbers = #tpu.dot_dimension_numbers<[1], [0], [0], [1], [0, 0, 1, 1], [], []>, transpose_lhs_hint = false} : vector<8x16xf32>, vector<16x16xf32>, vector<8x16xf32> -> vector<8x16xf32>
    %iota3A_137 = tpu.iota {dimensions = array<i32: 0>} : vector<16x2048xi32>
    %iota3A_138 = tpu.iota {dimensions = array<i32: 1>} : vector<16x2048xi32>
    %jit3A_139 = arith.constant 128 : i32
    %div3A_140 = vector.broadcast %jit3A_139 : i32 to vector<16x2048xi32>
    %div3A_141 = arith.divsi %iota3A_138, %div3A_140 : vector<16x2048xi32>
    %sign3A_142 = arith.constant 0 : i32
    %sign3A_143 = vector.broadcast %sign3A_142 : i32 to vector<16x2048xi32>
    %sign3A_144 = arith.cmpi sgt, %iota3A_138, %sign3A_143 : vector<16x2048xi32>
    %sign3A_145 = arith.extui %sign3A_144 : vector<16x2048xi1> to vector<16x2048xi32>
    %sign3A_146 = arith.constant 0 : i32
    %sign3A_147 = vector.broadcast %sign3A_146 : i32 to vector<16x2048xi32>
    %sign3A_148 = arith.cmpi slt, %iota3A_138, %sign3A_147 : vector<16x2048xi32>
    %sign3A_149 = arith.extui %sign3A_148 : vector<16x2048xi1> to vector<16x2048xi32>
    %sign3A_150 = arith.subi %sign3A_145, %sign3A_149 : vector<16x2048xi32>
    %sign3A_151 = arith.constant 0 : i32
    %sign3A_152 = arith.cmpi sgt, %jit3A_139, %sign3A_151 : i32
    %sign3A_153 = arith.extui %sign3A_152 : i1 to i32
    %sign3A_154 = arith.constant 0 : i32
    %sign3A_155 = arith.cmpi slt, %jit3A_139, %sign3A_154 : i32
    %sign3A_156 = arith.extui %sign3A_155 : i1 to i32
    %sign3A_157 = arith.subi %sign3A_153, %sign3A_156 : i32
    %ne3A_158 = vector.broadcast %sign3A_157 : i32 to vector<16x2048xi32>
    %ne3A_159 = arith.cmpi ne, %sign3A_150, %ne3A_158 : vector<16x2048xi32>
    %rem3A_160 = vector.broadcast %jit3A_139 : i32 to vector<16x2048xi32>
    %rem3A_161 = arith.remsi %iota3A_138, %rem3A_160 : vector<16x2048xi32>
    %ne3A_162 = arith.constant 0 : i32
    %ne3A_163 = vector.broadcast %ne3A_162 : i32 to vector<16x2048xi32>
    %ne3A_164 = arith.cmpi ne, %rem3A_161, %ne3A_163 : vector<16x2048xi32>
    %and3A_165 = arith.andi %ne3A_159, %ne3A_164 : vector<16x2048xi1>
    %sub3A_166 = arith.constant 1 : i32
    %sub3A_167 = vector.broadcast %sub3A_166 : i32 to vector<16x2048xi32>
    %sub3A_168 = arith.subi %div3A_141, %sub3A_167 : vector<16x2048xi32>
    %select_n3A_169 = arith.select %and3A_165, %sub3A_168, %div3A_141 : vector<16x2048xi1>, vector<16x2048xi32>
    %eq3A_170 = arith.cmpi eq, %select_n3A_169, %iota3A_137 : vector<16x2048xi32>
    %convert_element_type3A_171 = arith.extui %eq3A_170 : vector<16x2048xi1> to vector<16x2048xi32>
    %convert_element_type3A_172 = arith.sitofp %convert_element_type3A_171 : vector<16x2048xi32> to vector<16x2048xf32>
    %mul3A_173 = arith.constant 7.812500e-03 : f32
    %mul3A_174 = vector.broadcast %mul3A_173 : f32 to vector<8x16xf32>
    %mul3A_175 = arith.mulf %dot_general3A_136, %mul3A_174 : vector<8x16xf32>
    %floor3A = math.floor %mul3A_175 : vector<8x16xf32>
    %mul3A_176 = arith.constant 1.280000e+02 : f32
    %mul3A_177 = vector.broadcast %mul3A_176 : f32 to vector<8x16xf32>
    %mul3A_178 = arith.mulf %floor3A, %mul3A_177 : vector<8x16xf32>
    %sub3A_179 = arith.subf %dot_general3A_136, %mul3A_178 : vector<8x16xf32>
    %dot_general3A_180 = arith.constant dense<0.000000e+00> : vector<8x2048xf32>
    %dot_general3A_181 = tpu.matmul %floor3A, %convert_element_type3A_172, %dot_general3A_180 {dimension_numbers = #tpu.dot_dimension_numbers<[1], [0], [0], [1], [0, 0, 1, 1], [], []>, transpose_lhs_hint = false} : vector<8x16xf32>, vector<16x2048xf32>, vector<8x2048xf32> -> vector<8x2048xf32>
    %mul3A_182 = arith.constant 1.280000e+02 : f32
    %mul3A_183 = vector.broadcast %mul3A_182 : f32 to vector<8x2048xf32>
    %mul3A_184 = arith.mulf %dot_general3A_181, %mul3A_183 : vector<8x2048xf32>
    %dot_general3A_185 = arith.constant dense<0.000000e+00> : vector<8x2048xf32>
    %dot_general3A_186 = tpu.matmul %sub3A_179, %convert_element_type3A_172, %dot_general3A_185 {dimension_numbers = #tpu.dot_dimension_numbers<[1], [0], [0], [1], [0, 0, 1, 1], [], []>, transpose_lhs_hint = false} : vector<8x16xf32>, vector<16x2048xf32>, vector<8x2048xf32> -> vector<8x2048xf32>
    %add3A_187 = arith.addf %mul3A_184, %dot_general3A_186 : vector<8x2048xf32>
    %add3A_188 = arith.addf %concatenate3A, %add3A_187 : vector<8x2048xf32>
    %iota3A_189 = tpu.iota {dimensions = array<i32: 0>} : vector<8x8xi32>
    %iota3A_190 = tpu.iota {dimensions = array<i32: 1>} : vector<8x8xi32>
    %lt3A_191 = arith.cmpi slt, %iota3A_190, %iota3A_189 : vector<8x8xi32>
    %convert_element_type3A_192 = arith.extui %lt3A_191 : vector<8x8xi1> to vector<8x8xi32>
    %convert_element_type3A_193 = arith.sitofp %convert_element_type3A_192 : vector<8x8xi32> to vector<8x8xf32>
    %le3A = arith.cmpi sle, %iota3A_190, %iota3A_189 : vector<8x8xi32>
    %convert_element_type3A_194 = arith.extui %le3A : vector<8x8xi1> to vector<8x8xi32>
    %convert_element_type3A_195 = arith.sitofp %convert_element_type3A_194 : vector<8x8xi32> to vector<8x8xf32>
    %add3A_196 = arith.constant 2.550000e+02 : f32
    %add3A_197 = vector.broadcast %add3A_196 : f32 to vector<8x1xf32>
    %add3A_198 = arith.addf %broadcast_in_dim3A_30, %add3A_197 : vector<8x1xf32>
    %mul3A_199 = arith.constant 3.906250e-03 : f32
    %mul3A_200 = vector.broadcast %mul3A_199 : f32 to vector<8x1xf32>
    %mul3A_201 = arith.mulf %add3A_198, %mul3A_200 : vector<8x1xf32>
    %floor3A_202 = math.floor %mul3A_201 : vector<8x1xf32>
    %dot_general3A_203 = arith.constant dense<0.000000e+00> : vector<8x1xf32>
    %dot_general3A_204 = tpu.matmul %convert_element_type3A_193, %floor3A_202, %dot_general3A_203 {dimension_numbers = #tpu.dot_dimension_numbers<[1], [0], [0], [1], [0, 0, 1, 1], [], []>, transpose_lhs_hint = false} : vector<8x8xf32>, vector<8x1xf32>, vector<8x1xf32> -> vector<8x1xf32>
    %mul3A_205 = arith.constant 2.560000e+02 : f32
    %mul3A_206 = vector.broadcast %mul3A_205 : f32 to vector<8x1xf32>
    %mul3A_207 = arith.mulf %dot_general3A_204, %mul3A_206 : vector<8x1xf32>
    %add3A_208 = vector.broadcast %mul3A_207 : vector<8x1xf32> to vector<8x2048xf32>
    %add3A_209 = arith.addf %add3A_188, %add3A_208 : vector<8x2048xf32>
    %mul3A_210 = arith.mulf %convert_element_type3A_28, %add3A_209 : vector<8x2048xf32>
    %reduce_sum3A_211 = arith.constant dense<0.000000e+00> : vector<2048xf32>
    %reduce_sum3A_212 = vector.multi_reduction <add>, %mul3A_210, %reduce_sum3A_211 [0] : vector<8x2048xf32> to vector<2048xf32>
    %broadcast_in_dim3A_213 = vector.shape_cast %reduce_sum3A_212 : vector<2048xf32> to vector<1x2048xf32>
    %convert_element_type3A_214 = arith.fptosi %broadcast_in_dim3A_213 : vector<1x2048xf32> to vector<1x2048xi32>
    %swap3A_215 = arith.constant 0 : index
    %swap3A_216 = arith.constant 0 : index
    %swap3A_217 = vector.load %arg4[%swap3A_215, %swap3A_216] : memref<1x2048xi32, #tpu.memory_space<vmem>>, vector<1x2048xi32>
    tpu.vector_store %arg4[%swap3A_215, %swap3A_216], %convert_element_type3A_214 {strides = array<i32>} : memref<1x2048xi32, #tpu.memory_space<vmem>>, vector<1x2048xi32>,
    %dot_general3A_218 = arith.constant dense<0.000000e+00> : vector<8x1xf32>
    %dot_general3A_219 = tpu.matmul %convert_element_type3A_195, %floor3A_202, %dot_general3A_218 {dimension_numbers = #tpu.dot_dimension_numbers<[1], [0], [0], [1], [0, 0, 1, 1], [], []>, transpose_lhs_hint = false} : vector<8x8xf32>, vector<8x1xf32>, vector<8x1xf32> -> vector<8x1xf32>
    %reduce_sum3A_220 = arith.constant dense<0.000000e+00> : vector<1xf32>
    %reduce_sum3A_221 = vector.multi_reduction <add>, %floor3A_202, %reduce_sum3A_220 [0] : vector<8x1xf32> to vector<1xf32>
    %broadcast_in_dim3A_222 = vector.shape_cast %reduce_sum3A_221 : vector<1xf32> to vector<1x1xf32>
    %iota3A_223 = tpu.iota {dimensions = array<i32: 1>} : vector<8x16xi32>
    %convert_element_type3A_224 = arith.sitofp %iota3A_223 : vector<8x16xi32> to vector<8x16xf32>
    %sub3A_225 = arith.constant 1.000000e+00 : f32
    %sub3A_226 = vector.broadcast %sub3A_225 : f32 to vector<1x1xf32>
    %sub3A_227 = arith.subf %broadcast_in_dim3A_222, %sub3A_226 : vector<1x1xf32>
    %min3A = vector.broadcast %sub3A_227 : vector<1x1xf32> to vector<8x16xf32>
    %min3A_228 = arith.minimumf %convert_element_type3A_224, %min3A : vector<8x16xf32>
    %ge3A = vector.broadcast %dot_general3A_219 : vector<8x1xf32> to vector<8x16xf32>
    %ge3A_229 = arith.cmpf oge, %min3A_228, %ge3A : vector<8x16xf32>
    %convert_element_type3A_230 = arith.extui %ge3A_229 : vector<8x16xi1> to vector<8x16xi32>
    %convert_element_type3A_231 = arith.sitofp %convert_element_type3A_230 : vector<8x16xi32> to vector<8x16xf32>
    %reduce_sum3A_232 = arith.constant dense<0.000000e+00> : vector<16xf32>
    %reduce_sum3A_233 = vector.multi_reduction <add>, %convert_element_type3A_231, %reduce_sum3A_232 [0] : vector<8x16xf32> to vector<16xf32>
    %broadcast_in_dim3A_234 = vector.shape_cast %reduce_sum3A_233 : vector<16xf32> to vector<1x16xf32>
    %slice3A_235 = vector.extract_strided_slice %min3A_228 {offsets = [0, 0], sizes = [1, 16], strides = [1, 1]} : vector<8x16xf32> to vector<1x16xf32>
    %slice3A_236 = vector.extract_strided_slice %convert_element_type3A_224 {offsets = [0, 0], sizes = [1, 16], strides = [1, 1]} : vector<8x16xf32> to vector<1x16xf32>
    %lt3A_237 = vector.broadcast %broadcast_in_dim3A_222 : vector<1x1xf32> to vector<1x16xf32>
    %lt3A_238 = arith.cmpf olt, %slice3A_236, %lt3A_237 : vector<1x16xf32>
    %convert_element_type3A_239 = arith.extui %lt3A_238 : vector<1x16xi1> to vector<1x16xi32>
    %convert_element_type3A_240 = arith.sitofp %convert_element_type3A_239 : vector<1x16xi32> to vector<1x16xf32>
    %concatenate3A_241 = tpu.concatenate %broadcast_in_dim3A_234, %slice3A_235, %convert_element_type3A_240 in 0 : vector<1x16xf32>, vector<1x16xf32>, vector<1x16xf32> -> vector<3x16xf32>
    %convert_element_type3A_242 = arith.fptosi %concatenate3A_241 : vector<3x16xf32> to vector<3x16xi32>
    %swap3A_243 = arith.constant 0 : index
    %swap3A_244 = arith.constant 0 : index
    %swap3A_245 = vector.load %arg5[%swap3A_243, %swap3A_244] : memref<3x16xi32, #tpu.memory_space<vmem>>, vector<3x16xi32>
    tpu.vector_store %arg5[%swap3A_243, %swap3A_244], %convert_element_type3A_242 {strides = array<i32>} : memref<3x16xi32, #tpu.memory_space<vmem>>, vector<3x16xi32>,
    return
  }
}

module attributes {stable_mosaic.version = 14 : i64} {
  func.func @_expert_body(%arg0: i32, %arg1: memref<3x16xi32, #tpu.memory_space<smem>>, %arg2: memref<256x1024xf32, #tpu.memory_space<vmem>>, %arg3: memref<1x2048x1024xf32, #tpu.memory_space<vmem>>, %arg4: memref<1x1x2048xf32, #tpu.memory_space<vmem>>, %arg5: memref<1x1x1024xf32, #tpu.memory_space<vmem>>, %arg6: memref<1x1x1024xf32, #tpu.memory_space<vmem>>, %arg7: memref<1024x1024xf32, #tpu.memory_space<vmem>>, %arg8: memref<1x1024xf32, #tpu.memory_space<vmem>>, %arg9: memref<256x1024xf32, #tpu.memory_space<vmem>>) attributes {dimension_semantics = [#tpu.dimension_semantics<arbitrary>], iteration_bounds = array<i64: 16>, scalar_prefetch = 1 : i64, scratch_operands = 0 : i64, tpu.core_type = #tpu.core_type<tc>, window_params = [{transform_indices = @transform_0, window_bounds = array<i64: 256, 1024>}, {pipeline_mode = #tpu.pipeline_mode<double_buffered>, transform_indices = @transform_1, window_bounds = array<i64: 1, 2048, 1024>}, {transform_indices = @transform_2, window_bounds = array<i64: 1, 1, 2048>}, {transform_indices = @transform_3, window_bounds = array<i64: 1, 1, 1024>}, {transform_indices = @transform_4, window_bounds = array<i64: 1, 1, 1024>}, {pipeline_mode = #tpu.pipeline_mode<synchronous>, transform_indices = @transform_5, window_bounds = array<i64: 1024, 1024>}, {pipeline_mode = #tpu.pipeline_mode<synchronous>, transform_indices = @transform_6, window_bounds = array<i64: 1, 1024>}, {transform_indices = @transform_7, window_bounds = array<i64: 256, 1024>}]} {
    %get3A = arith.constant 2 : index
    %get3A_0 = arith.index_cast %arg0 : i32 to index
    %get3A_1 = memref.load %arg1[%get3A, %get3A_0] : memref<3x16xi32, #tpu.memory_space<smem>>
    %eq3A = arith.constant 1 : i32
    %eq3A_2 = arith.cmpi eq, %get3A_1, %eq3A : i32
    %convert_element_type3A = arith.extui %eq3A_2 : i1 to i32
    %cond3A = arith.constant 0 : i32
    %cond3A_3 = arith.cmpi ne, %convert_element_type3A, %cond3A : i32
    scf.if %cond3A_3 {
      %get3A_4 = arith.constant 0 : index
      %get3A_5 = arith.constant 0 : index
      %get3A_6 = vector.load %arg2[%get3A_4, %get3A_5] : memref<256x1024xf32, #tpu.memory_space<vmem>>, vector<256x1024xf32>
      %get3A_7 = arith.constant 0 : index
      %get3A_8 = arith.constant 0 : index
      %get3A_9 = arith.constant 0 : index
      %get3A_10 = vector.load %arg3[%get3A_7, %get3A_8, %get3A_9] : memref<1x2048x1024xf32, #tpu.memory_space<vmem>>, vector<1x2048x1024xf32>
      %get3A_11 = vector.shape_cast %get3A_10 : vector<1x2048x1024xf32> to vector<2048x1024xf32>
      %dot_general3A = arith.constant dense<0.000000e+00> : vector<256x2048xf32>
      %dot_general3A_12 = tpu.matmul %get3A_6, %get3A_11, %dot_general3A {dimension_numbers = #tpu.dot_dimension_numbers<[1], [1], [0], [0], [0, 0, 1, 0], [], []>, transpose_lhs_hint = false} : vector<256x1024xf32>, vector<2048x1024xf32>, vector<256x2048xf32> -> vector<256x2048xf32>
      %get3A_13 = arith.constant 0 : index
      %get3A_14 = arith.constant 0 : index
      %get3A_15 = arith.constant 0 : index
      %get3A_16 = vector.load %arg4[%get3A_13, %get3A_14, %get3A_15] : memref<1x1x2048xf32, #tpu.memory_space<vmem>>, vector<1x1x2048xf32>
      %get3A_17 = vector.shape_cast %get3A_16 : vector<1x1x2048xf32> to vector<1x2048xf32>
      %add3A = vector.broadcast %get3A_17 : vector<1x2048xf32> to vector<256x2048xf32>
      %add3A_18 = arith.addf %dot_general3A_12, %add3A : vector<256x2048xf32>
      %slice3A = vector.extract_strided_slice %add3A_18 {offsets = [0, 0], sizes = [256, 1024], strides = [1, 1]} : vector<256x2048xf32> to vector<256x1024xf32>
      %slice3A_19 = vector.extract_strided_slice %add3A_18 {offsets = [0, 1024], sizes = [256, 1024], strides = [1, 1]} : vector<256x2048xf32> to vector<256x1024xf32>
      %logistic3A = arith.negf %slice3A_19 : vector<256x1024xf32>
      %logistic3A_20 = math.exp %logistic3A : vector<256x1024xf32>
      %logistic3A_21 = arith.constant 1.000000e+00 : f32
      %logistic3A_22 = vector.broadcast %logistic3A_21 : f32 to vector<256x1024xf32>
      %logistic3A_23 = arith.addf %logistic3A_22, %logistic3A_20 : vector<256x1024xf32>
      %logistic3A_24 = arith.divf %logistic3A_22, %logistic3A_23 : vector<256x1024xf32>
      %mul3A = arith.mulf %slice3A, %logistic3A_24 : vector<256x1024xf32>
      %reduce_sum3A = arith.constant dense<0.000000e+00> : vector<256xf32>
      %reduce_sum3A_25 = vector.multi_reduction <add>, %mul3A, %reduce_sum3A [1] : vector<256x1024xf32> to vector<256xf32>
      %broadcast_in_dim3A = vector.shape_cast %reduce_sum3A_25 : vector<256xf32> to vector<256x1xf32>
      %div3A = arith.constant 1.024000e+03 : f32
      %div3A_26 = vector.broadcast %div3A : f32 to vector<256x1xf32>
      %div3A_27 = arith.divf %broadcast_in_dim3A, %div3A_26 : vector<256x1xf32>
      %sub3A = vector.broadcast %div3A_27 : vector<256x1xf32> to vector<256x1024xf32>
      %sub3A_28 = arith.subf %mul3A, %sub3A : vector<256x1024xf32>
      %sub3A_29 = vector.broadcast %div3A_27 : vector<256x1xf32> to vector<256x1024xf32>
      %sub3A_30 = arith.subf %mul3A, %sub3A_29 : vector<256x1024xf32>
      %mul3A_31 = arith.mulf %sub3A_28, %sub3A_30 : vector<256x1024xf32>
      %reduce_sum3A_32 = arith.constant dense<0.000000e+00> : vector<256xf32>
      %reduce_sum3A_33 = vector.multi_reduction <add>, %mul3A_31, %reduce_sum3A_32 [1] : vector<256x1024xf32> to vector<256xf32>
      %broadcast_in_dim3A_34 = vector.shape_cast %reduce_sum3A_33 : vector<256xf32> to vector<256x1xf32>
      %div3A_35 = arith.constant 1.024000e+03 : f32
      %div3A_36 = vector.broadcast %div3A_35 : f32 to vector<256x1xf32>
      %div3A_37 = arith.divf %broadcast_in_dim3A_34, %div3A_36 : vector<256x1xf32>
      %sub3A_38 = vector.broadcast %div3A_27 : vector<256x1xf32> to vector<256x1024xf32>
      %sub3A_39 = arith.subf %mul3A, %sub3A_38 : vector<256x1024xf32>
      %add3A_40 = arith.constant 9.99999974E-6 : f32
      %add3A_41 = vector.broadcast %add3A_40 : f32 to vector<256x1xf32>
      %add3A_42 = arith.addf %div3A_37, %add3A_41 : vector<256x1xf32>
      %rsqrt3A = math.rsqrt %add3A_42 : vector<256x1xf32>
      %mul3A_43 = vector.broadcast %rsqrt3A : vector<256x1xf32> to vector<256x1024xf32>
      %mul3A_44 = arith.mulf %sub3A_39, %mul3A_43 : vector<256x1024xf32>
      %get3A_45 = arith.constant 0 : index
      %get3A_46 = arith.constant 0 : index
      %get3A_47 = arith.constant 0 : index
      %get3A_48 = vector.load %arg5[%get3A_45, %get3A_46, %get3A_47] : memref<1x1x1024xf32, #tpu.memory_space<vmem>>, vector<1x1x1024xf32>
      %get3A_49 = vector.shape_cast %get3A_48 : vector<1x1x1024xf32> to vector<1x1024xf32>
      %mul3A_50 = vector.broadcast %get3A_49 : vector<1x1024xf32> to vector<256x1024xf32>
      %mul3A_51 = arith.mulf %mul3A_44, %mul3A_50 : vector<256x1024xf32>
      %get3A_52 = arith.constant 0 : index
      %get3A_53 = arith.constant 0 : index
      %get3A_54 = arith.constant 0 : index
      %get3A_55 = vector.load %arg6[%get3A_52, %get3A_53, %get3A_54] : memref<1x1x1024xf32, #tpu.memory_space<vmem>>, vector<1x1x1024xf32>
      %get3A_56 = vector.shape_cast %get3A_55 : vector<1x1x1024xf32> to vector<1x1024xf32>
      %add3A_57 = vector.broadcast %get3A_56 : vector<1x1024xf32> to vector<256x1024xf32>
      %add3A_58 = arith.addf %mul3A_51, %add3A_57 : vector<256x1024xf32>
      %get3A_59 = arith.constant 0 : index
      %get3A_60 = arith.constant 0 : index
      %get3A_61 = vector.load %arg7[%get3A_59, %get3A_60] : memref<1024x1024xf32, #tpu.memory_space<vmem>>, vector<1024x1024xf32>
      %dot_general3A_62 = arith.constant dense<0.000000e+00> : vector<256x1024xf32>
      %dot_general3A_63 = tpu.matmul %add3A_58, %get3A_61, %dot_general3A_62 {dimension_numbers = #tpu.dot_dimension_numbers<[1], [1], [0], [0], [0, 0, 1, 0], [], []>, transpose_lhs_hint = false} : vector<256x1024xf32>, vector<1024x1024xf32>, vector<256x1024xf32> -> vector<256x1024xf32>
      %get3A_64 = arith.constant 0 : index
      %get3A_65 = arith.constant 0 : index
      %get3A_66 = vector.load %arg8[%get3A_64, %get3A_65] : memref<1x1024xf32, #tpu.memory_space<vmem>>, vector<1x1024xf32>
      %add3A_67 = vector.broadcast %get3A_66 : vector<1x1024xf32> to vector<256x1024xf32>
      %add3A_68 = arith.addf %dot_general3A_63, %add3A_67 : vector<256x1024xf32>
      %swap3A = arith.constant 0 : index
      %swap3A_69 = arith.constant 0 : index
      %swap3A_70 = vector.load %arg9[%swap3A, %swap3A_69] : memref<256x1024xf32, #tpu.memory_space<vmem>>, vector<256x1024xf32>
      tpu.vector_store %arg9[%swap3A, %swap3A_69], %add3A_68 {strides = array<i32>} : memref<256x1024xf32, #tpu.memory_space<vmem>>, vector<256x1024xf32>,
    } else {
    }
    return
  }
  func.func @transform_0(%arg0: i32, %arg1: memref<3x16xi32, #tpu.memory_space<smem>>) -> (i32, i32) {
    %get3A = arith.constant 1 : index
    %get3A_0 = arith.index_cast %arg0 : i32 to index
    %get3A_1 = memref.load %arg1[%get3A, %get3A_0] : memref<3x16xi32, #tpu.memory_space<smem>>
    %c0_i32 = arith.constant 0 : i32
    %c0_i32_2 = arith.constant 0 : i32
    return %get3A_1, %c0_i32 : i32, i32
  }
  func.func @transform_1(%arg0: i32, %arg1: memref<3x16xi32, #tpu.memory_space<smem>>) -> (i32, i32, i32) {
    %get3A = arith.constant 0 : index
    %get3A_0 = arith.index_cast %arg0 : i32 to index
    %get3A_1 = memref.load %arg1[%get3A, %get3A_0] : memref<3x16xi32, #tpu.memory_space<smem>>
    %c0_i32 = arith.constant 0 : i32
    %c0_i32_2 = arith.constant 0 : i32
    %c0_i32_3 = arith.constant 0 : i32
    return %get3A_1, %c0_i32, %c0_i32_2 : i32, i32, i32
  }
  func.func @transform_2(%arg0: i32, %arg1: memref<3x16xi32, #tpu.memory_space<smem>>) -> (i32, i32, i32) {
    %get3A = arith.constant 0 : index
    %get3A_0 = arith.index_cast %arg0 : i32 to index
    %get3A_1 = memref.load %arg1[%get3A, %get3A_0] : memref<3x16xi32, #tpu.memory_space<smem>>
    %c0_i32 = arith.constant 0 : i32
    %c0_i32_2 = arith.constant 0 : i32
    %c0_i32_3 = arith.constant 0 : i32
    return %get3A_1, %c0_i32, %c0_i32_2 : i32, i32, i32
  }
  func.func @transform_3(%arg0: i32, %arg1: memref<3x16xi32, #tpu.memory_space<smem>>) -> (i32, i32, i32) {
    %get3A = arith.constant 0 : index
    %get3A_0 = arith.index_cast %arg0 : i32 to index
    %get3A_1 = memref.load %arg1[%get3A, %get3A_0] : memref<3x16xi32, #tpu.memory_space<smem>>
    %c0_i32 = arith.constant 0 : i32
    %c0_i32_2 = arith.constant 0 : i32
    %c0_i32_3 = arith.constant 0 : i32
    return %get3A_1, %c0_i32, %c0_i32_2 : i32, i32, i32
  }
  func.func @transform_4(%arg0: i32, %arg1: memref<3x16xi32, #tpu.memory_space<smem>>) -> (i32, i32, i32) {
    %get3A = arith.constant 0 : index
    %get3A_0 = arith.index_cast %arg0 : i32 to index
    %get3A_1 = memref.load %arg1[%get3A, %get3A_0] : memref<3x16xi32, #tpu.memory_space<smem>>
    %c0_i32 = arith.constant 0 : i32
    %c0_i32_2 = arith.constant 0 : i32
    %c0_i32_3 = arith.constant 0 : i32
    return %get3A_1, %c0_i32, %c0_i32_2 : i32, i32, i32
  }
  func.func @transform_5(%arg0: i32, %arg1: memref<3x16xi32, #tpu.memory_space<smem>>) -> (i32, i32) {
    %c0_i32 = arith.constant 0 : i32
    %c0_i32_0 = arith.constant 0 : i32
    %c0_i32_1 = arith.constant 0 : i32
    return %c0_i32, %c0_i32_0 : i32, i32
  }
  func.func @transform_6(%arg0: i32, %arg1: memref<3x16xi32, #tpu.memory_space<smem>>) -> (i32, i32) {
    %c0_i32 = arith.constant 0 : i32
    %c0_i32_0 = arith.constant 0 : i32
    %c0_i32_1 = arith.constant 0 : i32
    return %c0_i32, %c0_i32_0 : i32, i32
  }
  func.func @transform_7(%arg0: i32, %arg1: memref<3x16xi32, #tpu.memory_space<smem>>) -> (i32, i32) {
    %get3A = arith.constant 1 : index
    %get3A_0 = arith.index_cast %arg0 : i32 to index
    %get3A_1 = memref.load %arg1[%get3A, %get3A_0] : memref<3x16xi32, #tpu.memory_space<smem>>
    %c0_i32 = arith.constant 0 : i32
    %c0_i32_2 = arith.constant 0 : i32
    return %get3A_1, %c0_i32 : i32, i32
  }
}

</mosaic_0001>

<sc_bundles>
// kernel: kernel.6.cloned.1.call-start
scs
__scs_entry_jumppad:
0x0: {  	(pc) =	sbr.rel $0x88, $3  }
0x1: {  	(tag) =	ssettag $0x0;
	lr =	simm.s32 $0x1  }
0x2: {  	[smem:$0x3F97] =	sst lr;
	_ =	strace $0xD0000000  }
0x3: {  	_ = 	snop  }
0x4: {  	_ = 	snop  }
0x5: {  	_ = 	snop  }
0x6: {  	_ = 	snop  }
0x7: {  	_ = 	snop  }
__scs_overlays_trampoline_lowered:
0x8: {  	[smem:$0x3FA6] =	sst s0  }
0x9: {  	[smem:$0x3FA7] =	sst s1  }
0xa: {  	[smem:$0x3FA8] =	sst s2  }
0xb: {  	[smem:$0x3FA9] =	sst s3  }
0xc: {  	[smem:$0x3FAA] =	sst s4  }
0xd: {  	[smem:$0x3FAB] =	sst s5  }
0xe: {  	[smem:$0x3FAC] =	sst s6  }
0xf: {  	[smem:$0x3FAD] =	sst s7  }
0x10: {  	[smem:$0x3FAE] =	sst s8  }
0x11: {  	[smem:$0x3FAF] =	sst s9;
	s0 =	simm.s32 @!p0 $0x0  }
0x12: {  	s1 =	sld [smem:$0x3F95];
	s0 =	simm.s32 @p0 $0x1  }
0x13: {  	[smem:$0x3FB0] =	sst s0;
	s0 =	simm.s32 @!p1 $0x0  }
0x14: {  	s2 =	sld [smem:$0x3F94];
	s0 =	simm.s32 @p1 $0x1  }
0x15: {  	[smem:$0x3FB1] =	sst s0;
	s0 =	simm.s32 @!p2 $0x0  }
0x16: {  	s3 =	sld [smem:$0x3FDB];
	s0 =	simm.s32 @p2 $0x1  }
0x17: {  	s4 =	simm.s32 $0x1BF5;
	[smem:$0x3FB3] =	sst s0  }
0x18: {  	s0 =	sld [smem:$0x3F96];
	_ =	swait.ge [sflag:s4], $0x0  }
0x19: {  	s7 =	sld [smem:$0x3F97]  }
0x1a: {  	s8 =	sadd.s32 $0xFFFFE003, lr  }
0x1b: {  	s9 =	sadd.s32 $0xFFFFFEF7, lr;
	s5 =	simm.s32 $0xFFFFFFFF;
	p2 =	slt.u32 s8, $0xFFFFF086  }
0x1c: {  	p1 =	slt.u32 s9, $0xF7A;
	s5 =	simm.s32 @!p2 $0x0  }
0x1d: {  	s5 =	simm.s32 @p1 $0x1;
	p0 =	seq.s32 s7, s2  }
0x1e: {  	s7 =	smul.u32 @!p0 $0xF7A, s2;
	p2 =	seq.s32 @!p0 s5, $0x0  }
0x1f: {  	s9 =	smul.u32 $0xF7A, s1;
	s8 =	simm.s32 @!p0 $0x1BF5;
	p2 =	por !p2, p0  }
0x20: {  	[sflag:s8] =	ssyncset.s32 @!p0 $0xFFFFF086;
	s6 =	sadd.s32 @!p0 s3, s7;
	s7 =	simm.s32 @!p0 $0x108  }
0x21: {  	s3 =	sadd.s32 s3, s9;
	s6 =	sadd.s32 @!p0 $0x88, s6;
	s7 =	simm.s32 @p2 $0x1082  }
0x22: {  	[simem:s7], [sflag:s8] =	dma.local @!p0 [hbm:s6], $0xF7A  }
0x23: {  	s9 =	sor.u32 $0xD0000000, s2;
	s6 =	simm.s32 $0x108;
	_ =	swait.ge @!p0 [sflag:s8], $0x0  }
0x24: {  	s3 =	sadd.s32 $0x88, s3;
	s6 =	simm.s32 @!p1 $0x1082;
	[sflag:s4] =	ssyncset.s32 $0xFFFFF086  }
0x25: {  	[simem:s6], [sflag:s4] =	dma.local [hbm:s3], $0xF7A  }
0x26: {  	[smem:$0x3F97] =	sst s1;
	(tag) =	ssettag s2;
	_ =	strace s9  }
0x27: {  	s1 =	sld [smem:$0x3FA7]  }
0x28: {  	s2 =	sld [smem:$0x3FA8]  }
0x29: {  	s4 =	sld [smem:$0x3FAA]  }
0x2a: {  	p0 =	seq.s32 s5, $0x0;
	s5 =	sld [smem:$0x3FAB]  }
0x2b: {  	s6 =	sld [smem:$0x3FAC]  }
0x2c: {  	s7 =	sld [smem:$0x3FAD]  }
0x2d: {  	s3 =	simm.s32 $0x108;
	s8 =	sld [smem:$0x3FAE]  }
0x2e: {  	s3 =	simm.s32 @!p0 $0x1082;
	s9 =	sld [smem:$0x3FAF]  }
0x2f: {  	lr =	sadd.s32 s0, s3;
	s0 =	sld [smem:$0x3FA6]  }
0x30: {  	s3 =	sld [smem:$0x3FA9]  }
0x31: {  	[smem:$0x3FB2] =	sst s10  }
0x32: {  	s10 =	sld [smem:$0x3FB0];
	_ =	sdelay $0x3  }
0x33: {  	p0 =	seq.s32 s10, $0x1;
	s10 =	sld [smem:$0x3FB2];
	_ =	sdelay $0x3  }
0x34: {  	[smem:$0x3FB2] =	sst s10  }
0x35: {  	s10 =	sld [smem:$0x3FB1];
	_ =	sdelay $0x3  }
0x36: {  	p1 =	seq.s32 s10, $0x1;
	s10 =	sld [smem:$0x3FB2];
	_ =	sdelay $0x3  }
0x37: {  	[smem:$0x3FB2] =	sst s10  }
0x38: {  	s10 =	sld [smem:$0x3FB3]  }
0x39: {  	_ = 	snop;
	(pc) =	sbr.ind lr, $3  }
0x3a: {  	_ = 	snop  }
0x3b: {  	_ = 	snop  }
0x3c: {  	p2 =	seq.s32 s10, $0x1;
	s10 =	sld [smem:$0x3FB2]  }
0x3d: {  	_ =	shalt  }
0x3e: {  	_ =	shalt  }
0x3f: {  	_ =	shalt  }
0x40: {  	_ =	shalt  }
0x41: {  	_ =	shalt  }
0x42: {  	_ =	shalt  }
0x43: {  	_ =	shalt  }
0x44: {  	_ =	shalt  }
0x45: {  	_ =	shalt  }
0x46: {  	_ =	shalt  }
0x47: {  	_ =	shalt  }
0x48: {  	_ =	shalt  }
0x49: {  	_ =	shalt  }
0x4a: {  	_ =	shalt  }
0x4b: {  	_ =	shalt  }
0x4c: {  	_ =	shalt  }
0x4d: {  	_ =	shalt  }
0x4e: {  	_ =	shalt  }
0x4f: {  	_ =	shalt  }
0x50: {  	_ =	shalt  }
0x51: {  	_ =	shalt  }
0x52: {  	_ =	shalt  }
0x53: {  	_ =	shalt  }
0x54: {  	_ =	shalt  }
0x55: {  	_ =	shalt  }
0x56: {  	_ =	shalt  }
0x57: {  	_ =	shalt  }
0x58: {  	_ =	shalt  }
0x59: {  	_ =	shalt  }
0x5a: {  	_ =	shalt  }
0x5b: {  	_ =	shalt  }
0x5c: {  	_ =	shalt  }
0x5d: {  	_ =	shalt  }
0x5e: {  	_ =	shalt  }
0x5f: {  	_ =	shalt  }
0x60: {  	_ =	shalt  }
0x61: {  	_ =	shalt  }
0x62: {  	_ =	shalt  }
0x63: {  	_ =	shalt  }
0x64: {  	_ =	shalt  }
0x65: {  	_ =	shalt  }
0x66: {  	_ =	shalt  }
0x67: {  	_ =	shalt  }
0x68: {  	_ =	shalt  }
0x69: {  	_ =	shalt  }
0x6a: {  	_ =	shalt  }
0x6b: {  	_ =	shalt  }
0x6c: {  	_ =	shalt  }
0x6d: {  	_ =	shalt  }
0x6e: {  	_ =	shalt  }
0x6f: {  	_ =	shalt  }
0x70: {  	_ =	shalt  }
0x71: {  	_ =	shalt  }
0x72: {  	_ =	shalt  }
0x73: {  	_ =	shalt  }
0x74: {  	_ =	shalt  }
0x75: {  	_ =	shalt  }
0x76: {  	_ =	shalt  }
0x77: {  	_ =	shalt  }
0x78: {  	_ =	shalt  }
0x79: {  	_ =	shalt  }
0x7a: {  	_ =	shalt  }
0x7b: {  	_ =	shalt  }
0x7c: {  	_ =	shalt  }
0x7d: {  	_ =	shalt  }
0x7e: {  	_ =	shalt  }
0x7f: {  	_ =	shalt  }
0x80: {  	_ =	shalt  }
0x81: {  	_ =	shalt  }
0x82: {  	_ =	shalt  }
0x83: {  	_ =	shalt  }
0x84: {  	_ =	shalt  }
0x85: {  	_ =	shalt  }
0x86: {  	_ =	shalt  }
0x87: {  	_ =	shalt  }
.Lfunc_end0:
.L_simem_size_0:
called_computation_lowered:
.L_overlay_start_0:
0x88: {  	s2 =	sld [smem:$0x3FD9]  }
0x89: {  	s3 =	sld [smem:$0x3FFE];
	_ =	sdelay $0x1  }
0x8a: {  	s1 =	srdreg.scid  }
0x8b: {  	s0 =	sand.u32 $0x1, s1  }
0x8c: {  	s17 =	sshll.u32 s0, $0xA;
	s2 =	sadd.s32 s3, s2  }
0x8d: {  	s2 =	sadd.s32 s2, s17  }
0x8e: {  	[smem:$0x3FBE] =	sst s2  }
0x8f: {  	_ = 	snop  }
0x90: {  	s2 =	sld [smem:$0x3FC9];
	(tm) =	ssettm $0x1  }
0x91: {  	s18 =	sld [smem:$0x3FFB];
	_ =	sdelay $0x3  }
0x92: {  	_ =	strace s18  }
0x93: {  	s3 =	sld [smem:$0x3FFC];
	_ =	sdelay $0x3  }
0x94: {  	_ =	strace s3  }
0x95: {  	s3 =	sld [smem:$0x3FFD];
	_ =	sdelay $0x3  }
0x96: {  	_ =	strace s3  }
0x97: {  	_ =	strace $0x8FFFFFFF  }
0x98: {  	s19 =	sld [smem:$0x3FDB];
	_ =	sdelay $0x1  }
0x99: {  	s4 =	simm.s32 $_scs_section_size  }
0x9a: {  	s5 =	simm.s32 $_size__tile_overlayer_lowered;
	s6 =	simm.s32 $_tile_overlayer_lowered  }
0x9b: {  	s22 =	simm.s32 $0x1BFF;
	s21 =	sshll.u32 s6, $0x1;
	s3 =	sadd.s32 s4, s19  }
0x9c: {  	s7 =	simm.s32 $0x0;
	s20 =	sshll.u32 s5, $0x1;
	s5 =	sadd.s32 s21, s3  }
0x9d: {  	[timem:s7], [sflag:s22] =	dma.local [hbm:s5], s20  }
0x9e: {  	_ =	swait.ge [sflag:s22], s20  }
0x9f: {  	s4 =	ssub.s32 $0x0, s20;
	[sflag:s22] =	ssyncset.done $0x0  }
0xa0: {  	[sflag:s22] =	ssyncadd.s32 s4;
	_ =	sdelay $0x1  }
0xa1: {  	s23 =	simm.s32 $0x1B8B  }
0xa2: {  	_ =	swait.ge [sflag:s23], $0x1  }
0xa3: {  	[sflag:s23] =	ssyncset.done $0x0  }
0xa4: {  	s25 =	simm.s32 $0x1B8E;
	s24 =	sld [smem:$0x3FFE];
	[sflag:s23] =	ssyncadd.s32 $0xFFFFFFFF  }
0xa5: {  	s26 =	simm.s32 $execute0_lowered;
	[smem:$0x3FD2] =	sst s25  }
0xa6: {  	s5 =	sshll.u32 s26, $0x1;
	_ =	strace $0x80000046;
	[dreg:$0x1] =	wrdreg $0xFFFFFFFF  }
0xa7: {  	s28 =	simm.s32 $_size_execute0_lowered;
	s3 =	sadd.s32 s3, s5;
	[dreg:$0x0] =	wrdreg $0x0  }
0xa8: {  	s5 =	sshll.u32 s28, $0x1;
	[dreg:$0x2] =	wrdreg s3  }
0xa9: {  	[dreg:$0x3] =	wrdreg s5  }
0xaa: {  	[dreg:$0x4] =	wrdreg $0xC0  }
0xab: {  	_ =	task [dreg:s7], $0x5FFFF  }
0xac: {  	[dreg:$0x1] =	wrdreg $0xFFFFFFFF  }
0xad: {  	[dreg:$0x0] =	wrdreg $0x60  }
0xae: {  	[dreg:$0x2] =	wrdreg s2  }
0xaf: {  	[dreg:$0x3] =	wrdreg s24  }
0xb0: {  	[dreg:$0x4] =	wrdreg $0x9  }
0xb1: {  	_ =	task.clear_ibuf [dreg:s7], $0x5FFFF;
	_ =	strace $0x90000046  }
0xb2: {  	s29 =	simm.s32 $0x9;
	_ =	strace $0x80000048  }
0xb3: {  	_ =	swait.ge [sflag:s29], $0x1  }
0xb4: {  	[sflag:s29] =	ssyncadd.s32 $0xFFFFFFFF  }
0xb5: {  	_ =	strace $0x90000048  }
0xb6: {  	_ =	sfence  }
0xb7: {  	s30 =	sld [smem:$0x0];
	_ =	sdelay $0x2  }
0xb8: {  	s31 =	sshll.u32 s1, $0xD;
	s1 =	sshrl.u32 s1, $0x2  }
0xb9: {  	s3 =	sand.u32 $0x4000, s31;
	s1 =	sadd.s32 s1, s30  }
0xba: {  	s0 =	sor.u32 s3, s0;
	s1 =	sshll.u32 s1, $0x11  }
0xbb: {  	s0 =	sor.u32 s1, s0  }
0xbc: {  	s0 =	sadd.s32 $0x8F2B, s0  }
0xbd: {  	[sflag:s0] =	ssyncadd.remote.s32 $0x1  }
0xbe: {  	_ =	sfence.sel $0xFFFF  }
0xbf: {  	[dreg:$0x0] =	wrdreg $0xFFFFFFFF;
	(pc) =	sbr.abs _section_cstart, $3  }
0xc0: {  	[dreg:$0x1] =	wrdreg $0xFFFFFFFF  }
0xc1: {  	_ =	task.clear_ibuf [dreg:s7], $0x2FFFF;
	_ =	strace $0x9FFFFFFF  }
0xc2: {  	(tm) =	ssettm $0x7FFFFFFF  }
0xc3: {  	_ =	shalt  }
tec
execute0_lowered:
.L_overlay_start_1:
0x0: {  	(tag) =	ssettag $0x1  }
0x1: {  	s1 =	srdreg.scid  }
0x2: {  	s0 =	stileid.u32;
	s3 =	rddreg [dreg:$0x0]  }
0x3: {  	s6 =	rddreg [dreg:$0x1];
	s18 =	simm.s32 $0x880;
	s19 =	simm.s32 $0x1080  }
0x4: {  	s20 =	simm.s32 $0x1880;
	s22 =	simm.s32 $0x2080;
	s23 =	simm.s32 $0x2880  }
0x5: {  	s7 =	simm.s32 $0x3080;
	s24 =	simm.s32 $0x3880;
	s8 =	simm.s32 $0x4080  }
0x6: {  	s25 =	simm.s32 $0x4880;
	s26 =	simm.s32 $0x5080;
	s1 =	sand.u32 $0x1, s1  }
0x7: {  	s9 =	simm.s32 $0x80;
	s2 =	sshll.u32 s0, $0x7;
	s4 =	sshll.u32 s1, $0x6  }
0x8: {  	s11 =	simm.s32 $0x6080;
	s4 =	sor.u32 s4, s2;
	s2 =	simm.s32 $0x0  }
0x9: {  	s12 =	simm.s32 $0x6880;
	s13 =	simm.s32 $0x7080;
	[smem:$0x7FF] =	sst s2  }
0xa: {  	s14 =	simm.s32 $0x7880;
	_ =	strace $0x80000047;
	[dreg:$0x5] =	wrdreg s18  }
0xb: {  	s15 =	simm.s32 $0x8080;
	s16 =	simm.s32 $0x8880;
	[dreg:$0x6] =	wrdreg s19  }
0xc: {  	s17 =	simm.s32 $0x9080;
	s28 =	simm.s32 $0xE080;
	[dreg:$0x7] =	wrdreg s20  }
0xd: {  	s29 =	simm.s32 $0xE880;
	s30 =	simm.s32 $0xF080;
	[dreg:$0x8] =	wrdreg s22  }
0xe: {  	s31 =	simm.s32 $0xF880;
	s1 =	ssub.s32 $0x2, s1;
	[dreg:$0x9] =	wrdreg s23  }
0xf: {  	s21 =	sshrl.u32 s1, $0x1;
	s5 =	sshrl.u32 s4, $0x3;
	[dreg:$0xa] =	wrdreg s7  }
0x10: {  	s4 =	sshll.u32 s4, $0x7;
	s1 =	ssub.s32 s1, s21;
	[dreg:$0xb] =	wrdreg s24  }
0x11: {  	s21 =	simm.s32 $0xB080;
	s5 =	sadd.s32 s5, s6;
	[dreg:$0xc] =	wrdreg s8  }
0x12: {  	s3 =	sadd.s32 s3, s4;
	s4 =	sadd.s32 $0x2300, s6;
	[dreg:$0xd] =	wrdreg s25  }
0x13: {  	s7 =	smax.u32 s1, $0x1;
	s8 =	simm.s32 $0x2;
	[dreg:$0xe] =	wrdreg s26  }
0x14: {  	s18 =	simm.s32 $0x9880;
	s19 =	simm.s32 $0xA080;
	s20 =	simm.s32 $0xA880  }
0x15: {  	s22 =	simm.s32 $0xB880;
	s23 =	simm.s32 $0xC080;
	s24 =	simm.s32 $0xC880  }
0x16: {  	v2 =	vlaneseq.u32;
	s25 =	simm.s32 $0xD080;
	s26 =	simm.s32 $0xD880;
	s1 =	simm.s32 $0x1  }
0x17: {  	vm0 =	vmmov $0xffff;
	v1 =	vshrl.u32 v2, $0x3;
	s5 =	sadd.s32 $0x2000, s5;
	[dreg:$0x4] =	wrdreg s3;
	s3 =	sadd.s32 $0x2200, s6  }
0x18: {  	v0 =	vand.u32 $0x7, v2;
	v2 =	vor.u32 $0x8, v2;
	v1 =	vmul.u32 $0x8, v1;
	[dreg:$0x3] =	wrdreg s5;
	s5 =	sadd.s32 $0x2400, s6;
	s6 =	sadd.s32 $0x2500, s6  }
.LBB2_1:
0x19: {  	s0 =	rddreg [dreg:$0x3]  }
0x1a: {  	[tilespmem:s2], [sflag:$0x2] =	stream.linear.gather [hbm4b:s0+s2], $0x40, $0x38;
	[tilespmem:$0x10080] =	vst v63  }
0x1b: {  	_ =	swait.ge [sflag:s8], $0x40  }
0x1c: {  	[sflag:s8] =	ssyncset.done $0x0  }
0x1d: {  	s10 =	rddreg [dreg:$0x4];
	[sflag:s8] =	ssyncadd.s32 $0xFFFFFFC0  }
0x1e: {  	[tilespmem:s9], [sflag:$0x2] =	stream.linear.gather [hbm4b:s10+s2], $0x10000, $0x38;
	[tilespmem:$0x10080] =	vst v63  }
0x1f: {  	_ =	swait.ge [sflag:s8], $0x10000  }
0x20: {  	[sflag:s8] =	ssyncset.done $0x0  }
0x21: {  	[sflag:s8] =	ssyncadd.s32 $0xFFFF0000  }
0x22: {  	v3 =	vld [tilespmem:$0x0];
	_ =	sdelay $0x4  }
0x23: {  	v4 =	vshll.u32 v3, $0x3  }
0x24: {  	v3 =	vand.u32 $0x7, v3;
	v4 =	vand.u32 $0xFFFFFFC0, v4  }
0x25: {  	v3 =	vor.u32 v3, v4  }
0x26: {  	v4 =	vperm.xlane v3, v0;
	_ =	sdelay $0x1  }
0x27: {  	v4 =	vadd.s32 v1, v4;
	_ =	sdelay $0x4  }
0x28: {  	[hbm4b:s3+s2] =	stream.indirect_vreg.scatter [tilespmem:s9], [sflag:$0x1], $0x80, v4, vm0, $0xb8;
	[tilespmem:$0x10080] =	vst v63  }
0x29: {  	s0 =	rddreg [dreg:$0x5];
	v3 =	vperm.xlane v3, v2  }
0x2a: {  	[hbm4b:s4+s2] =	stream.indirect_vreg.scatter [tilespmem:s0], [sflag:$0x1], $0x80, v4, vm0, $0xb8;
	[tilespmem:$0x10080] =	vst v63  }
0x2b: {  	s10 =	rddreg [dreg:$0x6];
	v3 =	vadd.s32 v1, v3  }
0x2c: {  	[hbm4b:s5+s2] =	stream.indirect_vreg.scatter [tilespmem:s10], [sflag:$0x1], $0x80, v4, vm0, $0xb8;
	[tilespmem:$0x10080] =	vst v63  }
0x2d: {  	s0 =	rddreg [dreg:$0x7]  }
0x2e: {  	[hbm4b:s6+s2] =	stream.indirect_vreg.scatter [tilespmem:s0], [sflag:$0x1], $0x80, v4, vm0, $0xb8;
	[tilespmem:$0x10080] =	vst v63  }
0x2f: {  	s10 =	rddreg [dreg:$0x8]  }
0x30: {  	[hbm4b:s3+s2] =	stream.indirect_vreg.scatter [tilespmem:s10], [sflag:$0x1], $0x80, v3, vm0, $0xb8;
	[tilespmem:$0x10080] =	vst v63  }
0x31: {  	s0 =	rddreg [dreg:$0x9]  }
0x32: {  	[hbm4b:s4+s2] =	stream.indirect_vreg.scatter [tilespmem:s0], [sflag:$0x1], $0x80, v3, vm0, $0xb8;
	[tilespmem:$0x10080] =	vst v63  }
0x33: {  	s10 =	rddreg [dreg:$0xa]  }
0x34: {  	[hbm4b:s5+s2] =	stream.indirect_vreg.scatter [tilespmem:s10], [sflag:$0x1], $0x80, v3, vm0, $0xb8;
	[tilespmem:$0x10080] =	vst v63  }
0x35: {  	s0 =	rddreg [dreg:$0xb]  }
0x36: {  	[hbm4b:s6+s2] =	stream.indirect_vreg.scatter [tilespmem:s0], [sflag:$0x1], $0x80, v3, vm0, $0xb8;
	[tilespmem:$0x10080] =	vst v63  }
0x37: {  	v3 =	vld [tilespmem:$0x10];
	_ =	sdelay $0x4  }
0x38: {  	v61 =	vshll.u32 v3, $0x3  }
0x39: {  	v3 =	vand.u32 $0x7, v3;
	v4 =	vand.u32 $0xFFFFFFC0, v61  }
0x3a: {  	v3 =	vor.u32 v3, v4  }
0x3b: {  	v4 =	vperm.xlane v3, v0;
	_ =	sdelay $0x1  }
0x3c: {  	v4 =	vadd.s32 v1, v4;
	_ =	sdelay $0x3  }
0x3d: {  	s0 =	rddreg [dreg:$0xc]  }
0x3e: {  	[hbm4b:s3+s2] =	stream.indirect_vreg.scatter [tilespmem:s0], [sflag:$0x1], $0x80, v4, vm0, $0xb8;
	[tilespmem:$0x10080] =	vst v63  }
0x3f: {  	s10 =	rddreg [dreg:$0xd];
	v3 =	vperm.xlane v3, v2  }
0x40: {  	[hbm4b:s4+s2] =	stream.indirect_vreg.scatter [tilespmem:s10], [sflag:$0x1], $0x80, v4, vm0, $0xb8;
	[tilespmem:$0x10080] =	vst v63  }
0x41: {  	v3 =	vadd.s32 v1, v3;
	s0 =	rddreg [dreg:$0xe]  }
0x42: {  	[hbm4b:s5+s2] =	stream.indirect_vreg.scatter [tilespmem:s0], [sflag:$0x1], $0x80, v4, vm0, $0xb8;
	[tilespmem:$0x10080] =	vst v63  }
0x43: {  	s10 =	simm.s32 $0x5880  }
0x44: {  	[hbm4b:s6+s2] =	stream.indirect_vreg.scatter [tilespmem:s10], [sflag:$0x1], $0x80, v4, vm0, $0xb8;
	[tilespmem:$0x10080] =	vst v63  }
0x45: {  	_ = 	snop  }
0x46: {  	[hbm4b:s3+s2] =	stream.indirect_vreg.scatter [tilespmem:s11], [sflag:$0x1], $0x80, v3, vm0, $0xb8;
	[tilespmem:$0x10080] =	vst v63  }
0x47: {  	_ = 	snop  }
0x48: {  	[hbm4b:s4+s2] =	stream.indirect_vreg.scatter [tilespmem:s12], [sflag:$0x1], $0x80, v3, vm0, $0xb8;
	[tilespmem:$0x10080] =	vst v63  }
0x49: {  	_ = 	snop  }
0x4a: {  	[hbm4b:s5+s2] =	stream.indirect_vreg.scatter [tilespmem:s13], [sflag:$0x1], $0x80, v3, vm0, $0xb8;
	[tilespmem:$0x10080] =	vst v63  }
0x4b: {  	_ = 	snop  }
0x4c: {  	[hbm4b:s6+s2] =	stream.indirect_vreg.scatter [tilespmem:s14], [sflag:$0x1], $0x80, v3, vm0, $0xb8;
	[tilespmem:$0x10080] =	vst v63  }
0x4d: {  	v3 =	vld [tilespmem:$0x20];
	_ =	sdelay $0x4  }
0x4e: {  	v62 =	vshll.u32 v3, $0x3  }
0x4f: {  	v3 =	vand.u32 $0x7, v3;
	v4 =	vand.u32 $0xFFFFFFC0, v62  }
0x50: {  	v3 =	vor.u32 v3, v4  }
0x51: {  	v4 =	vperm.xlane v3, v0;
	_ =	sdelay $0x1  }
0x52: {  	v4 =	vadd.s32 v1, v4;
	_ =	sdelay $0x4  }
0x53: {  	[hbm4b:s3+s2] =	stream.indirect_vreg.scatter [tilespmem:s15], [sflag:$0x1], $0x80, v4, vm0, $0xb8;
	[tilespmem:$0x10080] =	vst v63  }
0x54: {  	v3 =	vperm.xlane v3, v2  }
0x55: {  	[hbm4b:s4+s2] =	stream.indirect_vreg.scatter [tilespmem:s16], [sflag:$0x1], $0x80, v4, vm0, $0xb8;
	[tilespmem:$0x10080] =	vst v63  }
0x56: {  	v3 =	vadd.s32 v1, v3  }
0x57: {  	[hbm4b:s5+s2] =	stream.indirect_vreg.scatter [tilespmem:s17], [sflag:$0x1], $0x80, v4, vm0, $0xb8;
	[tilespmem:$0x10080] =	vst v63  }
0x58: {  	_ = 	snop  }
0x59: {  	[hbm4b:s6+s2] =	stream.indirect_vreg.scatter [tilespmem:s18], [sflag:$0x1], $0x80, v4, vm0, $0xb8;
	[tilespmem:$0x10080] =	vst v63  }
0x5a: {  	_ = 	snop  }
0x5b: {  	[hbm4b:s3+s2] =	stream.indirect_vreg.scatter [tilespmem:s19], [sflag:$0x1], $0x80, v3, vm0, $0xb8;
	[tilespmem:$0x10080] =	vst v63  }
0x5c: {  	_ = 	snop  }
0x5d: {  	[hbm4b:s4+s2] =	stream.indirect_vreg.scatter [tilespmem:s20], [sflag:$0x1], $0x80, v3, vm0, $0xb8;
	[tilespmem:$0x10080] =	vst v63  }
0x5e: {  	_ = 	snop  }
0x5f: {  	[hbm4b:s5+s2] =	stream.indirect_vreg.scatter [tilespmem:s21], [sflag:$0x1], $0x80, v3, vm0, $0xb8;
	[tilespmem:$0x10080] =	vst v63  }
0x60: {  	_ = 	snop  }
0x61: {  	[hbm4b:s6+s2] =	stream.indirect_vreg.scatter [tilespmem:s22], [sflag:$0x1], $0x80, v3, vm0, $0xb8;
	[tilespmem:$0x10080] =	vst v63  }
0x62: {  	v3 =	vld [tilespmem:$0x30];
	_ =	sdelay $0x4  }
0x63: {  	v63 =	vshll.u32 v3, $0x3  }
0x64: {  	v3 =	vand.u32 $0x7, v3;
	v4 =	vand.u32 $0xFFFFFFC0, v63  }
0x65: {  	v3 =	vor.u32 v3, v4  }
0x66: {  	v4 =	vperm.xlane v3, v0;
	_ =	sdelay $0x1  }
0x67: {  	v4 =	vadd.s32 v1, v4;
	_ =	sdelay $0x4  }
0x68: {  	[hbm4b:s3+s2] =	stream.indirect_vreg.scatter [tilespmem:s23], [sflag:$0x1], $0x80, v4, vm0, $0xb8;
	[tilespmem:$0x10080] =	vst v63  }
0x69: {  	v3 =	vperm.xlane v3, v2  }
0x6a: {  	[hbm4b:s4+s2] =	stream.indirect_vreg.scatter [tilespmem:s24], [sflag:$0x1], $0x80, v4, vm0, $0xb8;
	[tilespmem:$0x10080] =	vst v63  }
0x6b: {  	v3 =	vadd.s32 v1, v3  }
0x6c: {  	[hbm4b:s5+s2] =	stream.indirect_vreg.scatter [tilespmem:s25], [sflag:$0x1], $0x80, v4, vm0, $0xb8;
	[tilespmem:$0x10080] =	vst v63  }
0x6d: {  	_ = 	snop  }
0x6e: {  	[hbm4b:s6+s2] =	stream.indirect_vreg.scatter [tilespmem:s26], [sflag:$0x1], $0x80, v4, vm0, $0xb8;
	[tilespmem:$0x10080] =	vst v63  }
0x6f: {  	_ = 	snop  }
0x70: {  	[hbm4b:s3+s2] =	stream.indirect_vreg.scatter [tilespmem:s28], [sflag:$0x1], $0x80, v3, vm0, $0xb8;
	[tilespmem:$0x10080] =	vst v63  }
0x71: {  	_ = 	snop  }
0x72: {  	[hbm4b:s4+s2] =	stream.indirect_vreg.scatter [tilespmem:s29], [sflag:$0x1], $0x80, v3, vm0, $0xb8;
	[tilespmem:$0x10080] =	vst v63  }
0x73: {  	p0 =	sne.s32 s7, $0x1  }
0x74: {  	[hbm4b:s5+s2] =	stream.indirect_vreg.scatter [tilespmem:s30], [sflag:$0x1], $0x80, v3, vm0, $0xb8;
	[tilespmem:$0x10080] =	vst v63  }
.Ltmp0:
0x75: {  	_ = 	snop;
	(pc) =	sbr.rel @p0 .LBB2_1-.Ltmp0, $4  }
0x76: {  	[hbm4b:s6+s2] =	stream.indirect_vreg.scatter [tilespmem:s31], [sflag:$0x1], $0x80, v3, vm0, $0xb8;
	[tilespmem:$0x10080] =	vst v63  }
0x77: {  	_ =	swait.ge [sflag:s1], $0x10000  }
0x78: {  	[sflag:s1] =	ssyncset.done $0x0  }
0x79: {  	s7 =	sadd.s32 $0xFFFFFFFF, s7;
	[sflag:s1] =	ssyncadd.s32 $0xFFFF0000  }
0x7a: {  	_ =	sfence.sel $0x180000  }
0x7b: {  	[bflag:$0x0] =	sbarrier.arrive $0xFFFF  }
0x7c: {  	_ =	strace $0x90000047  }
0x7d: {  	s0 =	stileid.u32;
	[bflag:$0x2] =	sbarrier.arrive $0xFFFF  }
0x7e: {  	p0 =	sne.s32 s0, $0x0;
	s0 =	rddreg [dreg:$0x2]  }
0x7f: {  	s0 =	sadd.s32 @!p0 $0x100000, s0  }
0x80: {  	[sflag:s0] =	ssyncadd.tile.s32 @!p0 $0x1;
	_ =	shalt  }
.Lfunc_end2:
_tile_overlayer_lowered:
.L_overlay_start_2:
0x81: {  	(tag) =	ssettag $0x2  }
0x82: {  	s0 =	rddreg [dreg:$0x0];
	s2 =	stileid.u32  }
0x83: {  	s1 =	rddreg [dreg:$0x1];
	p0 =	sne.s32 s2, $0x0  }
0x84: {  	s3 =	rddreg [dreg:$0x2];
	[bflag:$0x3] =	sbarrier.arrive $0xFFFF;
	s2 =	simm.s32 @!p0 $0x1C02  }
0x85: {  	[timem:s3], [sflag:s2] =	dma.local @!p0 [hbm:s0], s1  }
0x86: {  	s0 =	simm.s32 @!p0 $0x2  }
0x87: {  	_ =	swait.ge @!p0 [sflag:s0], s1  }
0x88: {  	s1 =	ssub.s32 @!p0 $0x0, s1;
	[sflag:s0] =	ssyncset.done @!p0 $0x0  }
0x89: {  	[sflag:s0] =	ssyncadd.s32 @!p0 s1  }
0x8a: {  	[bflag:$0x3] =	sbarrier.arrive $0xFFFF  }
0x8b: {  	_ =	shalt  }

// kernel: kernel.9.cloned.1.call-start
scs
__scs_entry_jumppad:
0x0: {  	(pc) =	sbr.rel $0x88, $3  }
0x1: {  	(tag) =	ssettag $0x0;
	lr =	simm.s32 $0x1  }
0x2: {  	[smem:$0x3F97] =	sst lr;
	_ =	strace $0xD0000000  }
0x3: {  	_ = 	snop  }
0x4: {  	_ = 	snop  }
0x5: {  	_ = 	snop  }
0x6: {  	_ = 	snop  }
0x7: {  	_ = 	snop  }
__scs_overlays_trampoline_lowered:
0x8: {  	[smem:$0x3FA6] =	sst s0  }
0x9: {  	[smem:$0x3FA7] =	sst s1  }
0xa: {  	[smem:$0x3FA8] =	sst s2  }
0xb: {  	[smem:$0x3FA9] =	sst s3  }
0xc: {  	[smem:$0x3FAA] =	sst s4  }
0xd: {  	[smem:$0x3FAB] =	sst s5  }
0xe: {  	[smem:$0x3FAC] =	sst s6  }
0xf: {  	[smem:$0x3FAD] =	sst s7  }
0x10: {  	[smem:$0x3FAE] =	sst s8  }
0x11: {  	[smem:$0x3FAF] =	sst s9;
	s0 =	simm.s32 @!p0 $0x0  }
0x12: {  	s1 =	sld [smem:$0x3F95];
	s0 =	simm.s32 @p0 $0x1  }
0x13: {  	[smem:$0x3FB0] =	sst s0;
	s0 =	simm.s32 @!p1 $0x0  }
0x14: {  	s2 =	sld [smem:$0x3F94];
	s0 =	simm.s32 @p1 $0x1  }
0x15: {  	[smem:$0x3FB1] =	sst s0;
	s0 =	simm.s32 @!p2 $0x0  }
0x16: {  	s3 =	sld [smem:$0x3FDB];
	s0 =	simm.s32 @p2 $0x1  }
0x17: {  	s4 =	simm.s32 $0x1BF5;
	[smem:$0x3FB3] =	sst s0  }
0x18: {  	s0 =	sld [smem:$0x3F96];
	_ =	swait.ge [sflag:s4], $0x0  }
0x19: {  	s7 =	sld [smem:$0x3F97]  }
0x1a: {  	s8 =	sadd.s32 $0xFFFFE003, lr  }
0x1b: {  	s9 =	sadd.s32 $0xFFFFFEF7, lr;
	s5 =	simm.s32 $0xFFFFFFFF;
	p2 =	slt.u32 s8, $0xFFFFF086  }
0x1c: {  	p1 =	slt.u32 s9, $0xF7A;
	s5 =	simm.s32 @!p2 $0x0  }
0x1d: {  	s5 =	simm.s32 @p1 $0x1;
	p0 =	seq.s32 s7, s2  }
0x1e: {  	s7 =	smul.u32 @!p0 $0xF7A, s2;
	p2 =	seq.s32 @!p0 s5, $0x0  }
0x1f: {  	s9 =	smul.u32 $0xF7A, s1;
	s8 =	simm.s32 @!p0 $0x1BF5;
	p2 =	por !p2, p0  }
0x20: {  	[sflag:s8] =	ssyncset.s32 @!p0 $0xFFFFF086;
	s6 =	sadd.s32 @!p0 s3, s7;
	s7 =	simm.s32 @!p0 $0x108  }
0x21: {  	s3 =	sadd.s32 s3, s9;
	s6 =	sadd.s32 @!p0 $0x88, s6;
	s7 =	simm.s32 @p2 $0x1082  }
0x22: {  	[simem:s7], [sflag:s8] =	dma.local @!p0 [hbm:s6], $0xF7A  }
0x23: {  	s9 =	sor.u32 $0xD0000000, s2;
	s6 =	simm.s32 $0x108;
	_ =	swait.ge @!p0 [sflag:s8], $0x0  }
0x24: {  	s3 =	sadd.s32 $0x88, s3;
	s6 =	simm.s32 @!p1 $0x1082;
	[sflag:s4] =	ssyncset.s32 $0xFFFFF086  }
0x25: {  	[simem:s6], [sflag:s4] =	dma.local [hbm:s3], $0xF7A  }
0x26: {  	[smem:$0x3F97] =	sst s1;
	(tag) =	ssettag s2;
	_ =	strace s9  }
0x27: {  	s1 =	sld [smem:$0x3FA7]  }
0x28: {  	s2 =	sld [smem:$0x3FA8]  }
0x29: {  	s4 =	sld [smem:$0x3FAA]  }
0x2a: {  	p0 =	seq.s32 s5, $0x0;
	s5 =	sld [smem:$0x3FAB]  }
0x2b: {  	s6 =	sld [smem:$0x3FAC]  }
0x2c: {  	s7 =	sld [smem:$0x3FAD]  }
0x2d: {  	s3 =	simm.s32 $0x108;
	s8 =	sld [smem:$0x3FAE]  }
0x2e: {  	s3 =	simm.s32 @!p0 $0x1082;
	s9 =	sld [smem:$0x3FAF]  }
0x2f: {  	lr =	sadd.s32 s0, s3;
	s0 =	sld [smem:$0x3FA6]  }
0x30: {  	s3 =	sld [smem:$0x3FA9]  }
0x31: {  	[smem:$0x3FB2] =	sst s10  }
0x32: {  	s10 =	sld [smem:$0x3FB0];
	_ =	sdelay $0x3  }
0x33: {  	p0 =	seq.s32 s10, $0x1;
	s10 =	sld [smem:$0x3FB2];
	_ =	sdelay $0x3  }
0x34: {  	[smem:$0x3FB2] =	sst s10  }
0x35: {  	s10 =	sld [smem:$0x3FB1];
	_ =	sdelay $0x3  }
0x36: {  	p1 =	seq.s32 s10, $0x1;
	s10 =	sld [smem:$0x3FB2];
	_ =	sdelay $0x3  }
0x37: {  	[smem:$0x3FB2] =	sst s10  }
0x38: {  	s10 =	sld [smem:$0x3FB3]  }
0x39: {  	_ = 	snop;
	(pc) =	sbr.ind lr, $3  }
0x3a: {  	_ = 	snop  }
0x3b: {  	_ = 	snop  }
0x3c: {  	p2 =	seq.s32 s10, $0x1;
	s10 =	sld [smem:$0x3FB2]  }
0x3d: {  	_ =	shalt  }
0x3e: {  	_ =	shalt  }
0x3f: {  	_ =	shalt  }
0x40: {  	_ =	shalt  }
0x41: {  	_ =	shalt  }
0x42: {  	_ =	shalt  }
0x43: {  	_ =	shalt  }
0x44: {  	_ =	shalt  }
0x45: {  	_ =	shalt  }
0x46: {  	_ =	shalt  }
0x47: {  	_ =	shalt  }
0x48: {  	_ =	shalt  }
0x49: {  	_ =	shalt  }
0x4a: {  	_ =	shalt  }
0x4b: {  	_ =	shalt  }
0x4c: {  	_ =	shalt  }
0x4d: {  	_ =	shalt  }
0x4e: {  	_ =	shalt  }
0x4f: {  	_ =	shalt  }
0x50: {  	_ =	shalt  }
0x51: {  	_ =	shalt  }
0x52: {  	_ =	shalt  }
0x53: {  	_ =	shalt  }
0x54: {  	_ =	shalt  }
0x55: {  	_ =	shalt  }
0x56: {  	_ =	shalt  }
0x57: {  	_ =	shalt  }
0x58: {  	_ =	shalt  }
0x59: {  	_ =	shalt  }
0x5a: {  	_ =	shalt  }
0x5b: {  	_ =	shalt  }
0x5c: {  	_ =	shalt  }
0x5d: {  	_ =	shalt  }
0x5e: {  	_ =	shalt  }
0x5f: {  	_ =	shalt  }
0x60: {  	_ =	shalt  }
0x61: {  	_ =	shalt  }
0x62: {  	_ =	shalt  }
0x63: {  	_ =	shalt  }
0x64: {  	_ =	shalt  }
0x65: {  	_ =	shalt  }
0x66: {  	_ =	shalt  }
0x67: {  	_ =	shalt  }
0x68: {  	_ =	shalt  }
0x69: {  	_ =	shalt  }
0x6a: {  	_ =	shalt  }
0x6b: {  	_ =	shalt  }
0x6c: {  	_ =	shalt  }
0x6d: {  	_ =	shalt  }
0x6e: {  	_ =	shalt  }
0x6f: {  	_ =	shalt  }
0x70: {  	_ =	shalt  }
0x71: {  	_ =	shalt  }
0x72: {  	_ =	shalt  }
0x73: {  	_ =	shalt  }
0x74: {  	_ =	shalt  }
0x75: {  	_ =	shalt  }
0x76: {  	_ =	shalt  }
0x77: {  	_ =	shalt  }
0x78: {  	_ =	shalt  }
0x79: {  	_ =	shalt  }
0x7a: {  	_ =	shalt  }
0x7b: {  	_ =	shalt  }
0x7c: {  	_ =	shalt  }
0x7d: {  	_ =	shalt  }
0x7e: {  	_ =	shalt  }
0x7f: {  	_ =	shalt  }
0x80: {  	_ =	shalt  }
0x81: {  	_ =	shalt  }
0x82: {  	_ =	shalt  }
0x83: {  	_ =	shalt  }
0x84: {  	_ =	shalt  }
0x85: {  	_ =	shalt  }
0x86: {  	_ =	shalt  }
0x87: {  	_ =	shalt  }
.Lfunc_end0:
.L_simem_size_0:
called_computation.1_lowered:
.L_overlay_start_0:
0x88: {  	s2 =	sld [smem:$0x3FD9]  }
0x89: {  	s3 =	sld [smem:$0x3FFE];
	_ =	sdelay $0x1  }
0x8a: {  	s1 =	srdreg.scid  }
0x8b: {  	s0 =	sand.u32 $0x1, s1  }
0x8c: {  	s14 =	sshll.u32 s0, $0xA;
	s2 =	sadd.s32 s3, s2  }
0x8d: {  	s2 =	sadd.s32 s2, s14  }
0x8e: {  	[smem:$0x3FBE] =	sst s2  }
0x8f: {  	_ = 	snop  }
0x90: {  	s2 =	sld [smem:$0x3FD0];
	_ =	sdelay $0x2  }
0x91: {  	s15 =	simm.s32 $0xA;
	s4 =	simm.s32 $0x10  }
0x92: {  	[smem:s4], [sflag:s15] =	dma.local [hbm:s2], $0x1  }
0x93: {  	_ =	swait.eq [sflag:s15], $0x1  }
0x94: {  	[sflag:s15] =	ssyncset.done $0x0  }
0x95: {  	[sflag:s15] =	ssyncadd.s32 $0xFFFFFFFF  }
0x96: {  	s16 =	sld [smem:$0x10];
	(tm) =	ssettm $0x1  }
0x97: {  	s17 =	sld [smem:$0x3FFB];
	_ =	sdelay $0x3  }
0x98: {  	_ =	strace s17  }
0x99: {  	s3 =	sld [smem:$0x3FFC];
	_ =	sdelay $0x3  }
0x9a: {  	_ =	strace s3  }
0x9b: {  	s3 =	sld [smem:$0x3FFD];
	_ =	sdelay $0x3  }
0x9c: {  	_ =	strace s3  }
0x9d: {  	_ =	strace $0x8FFFFFFF  }
0x9e: {  	s18 =	sld [smem:$0x3FDB];
	_ =	sdelay $0x1  }
0x9f: {  	s19 =	simm.s32 $_scs_section_size  }
0xa0: {  	s5 =	simm.s32 $_size__tile_overlayer_lowered;
	s6 =	simm.s32 $_tile_overlayer_lowered  }
0xa1: {  	s22 =	simm.s32 $0x1BFF;
	s21 =	sshll.u32 s6, $0x1;
	s3 =	sadd.s32 s19, s18  }
0xa2: {  	s7 =	simm.s32 $0x0;
	s20 =	sshll.u32 s5, $0x1;
	s5 =	sadd.s32 s21, s3  }
0xa3: {  	[timem:s7], [sflag:s22] =	dma.local [hbm:s5], s20  }
0xa4: {  	_ =	swait.ge [sflag:s22], s20  }
0xa5: {  	s4 =	ssub.s32 $0x0, s20;
	[sflag:s22] =	ssyncset.done $0x0  }
0xa6: {  	[sflag:s22] =	ssyncadd.s32 s4;
	_ =	sdelay $0x1  }
0xa7: {  	s23 =	simm.s32 $0x1B8B  }
0xa8: {  	_ =	swait.ge [sflag:s23], $0x1  }
0xa9: {  	[sflag:s23] =	ssyncset.done $0x0  }
0xaa: {  	s25 =	simm.s32 $0x1B8E;
	s24 =	sld [smem:$0x3FFE];
	[sflag:s23] =	ssyncadd.s32 $0xFFFFFFFF  }
0xab: {  	s26 =	simm.s32 $execute0_lowered;
	[smem:$0x3FD2] =	sst s25  }
0xac: {  	s5 =	sshll.u32 s26, $0x1;
	_ =	strace $0x80000049;
	[dreg:$0x1] =	wrdreg $0xFFFFFFFF  }
0xad: {  	s28 =	simm.s32 $_size_execute0_lowered;
	s3 =	sadd.s32 s3, s5;
	[dreg:$0x0] =	wrdreg $0x0  }
0xae: {  	s5 =	sshll.u32 s28, $0x1;
	[dreg:$0x2] =	wrdreg s3  }
0xaf: {  	[dreg:$0x3] =	wrdreg s5  }
0xb0: {  	[dreg:$0x4] =	wrdreg $0xC0  }
0xb1: {  	_ =	task [dreg:s7], $0x5FFFF  }
0xb2: {  	[dreg:$0x1] =	wrdreg $0xFFFFFFFF  }
0xb3: {  	[dreg:$0x0] =	wrdreg $0x60  }
0xb4: {  	[dreg:$0x2] =	wrdreg s24  }
0xb5: {  	[dreg:$0x3] =	wrdreg s16  }
0xb6: {  	[dreg:$0x4] =	wrdreg $0x9  }
0xb7: {  	_ =	task.clear_ibuf [dreg:s7], $0x5FFFF;
	_ =	strace $0x90000049  }
0xb8: {  	s29 =	simm.s32 $0x9;
	_ =	strace $0x8000004B  }
0xb9: {  	_ =	swait.ge [sflag:s29], $0x1  }
0xba: {  	[sflag:s29] =	ssyncadd.s32 $0xFFFFFFFF  }
0xbb: {  	_ =	strace $0x9000004B  }
0xbc: {  	_ =	sfence  }
0xbd: {  	s30 =	sld [smem:$0x0];
	_ =	sdelay $0x2  }
0xbe: {  	s31 =	sshll.u32 s1, $0xD;
	s1 =	sshrl.u32 s1, $0x2  }
0xbf: {  	s3 =	sand.u32 $0x4000, s31;
	s1 =	sadd.s32 s1, s30  }
0xc0: {  	s0 =	sor.u32 s3, s0;
	s1 =	sshll.u32 s1, $0x11  }
0xc1: {  	s0 =	sor.u32 s1, s0  }
0xc2: {  	s0 =	sadd.s32 $0x8F2B, s0  }
0xc3: {  	[sflag:s0] =	ssyncadd.remote.s32 $0x1  }
0xc4: {  	_ =	sfence.sel $0xFFFF  }
0xc5: {  	[dreg:$0x0] =	wrdreg $0xFFFFFFFF;
	(pc) =	sbr.abs _section_cstart, $3  }
0xc6: {  	[dreg:$0x1] =	wrdreg $0xFFFFFFFF  }
0xc7: {  	_ =	task.clear_ibuf [dreg:s7], $0x2FFFF;
	_ =	strace $0x9FFFFFFF  }
0xc8: {  	(tm) =	ssettm $0x7FFFFFFF  }
0xc9: {  	_ =	shalt  }
tec
execute0_lowered:
.L_overlay_start_1:
0x0: {  	(tag) =	ssettag $0x1  }
0x1: {  	s1 =	srdreg.scid  }
0x2: {  	s0 =	stileid.u32;
	s6 =	rddreg [dreg:$0x0]  }
0x3: {  	s4 =	rddreg [dreg:$0x1];
	s18 =	simm.s32 $0x880;
	s19 =	simm.s32 $0x1080  }
0x4: {  	s20 =	simm.s32 $0x1880;
	s22 =	simm.s32 $0x2080;
	s23 =	simm.s32 $0x2880  }
0x5: {  	s7 =	simm.s32 $0x3080;
	s24 =	simm.s32 $0x3880;
	s8 =	simm.s32 $0x4080  }
0x6: {  	s25 =	simm.s32 $0x4880;
	s26 =	simm.s32 $0x5080;
	s1 =	sand.u32 $0x1, s1  }
0x7: {  	s9 =	simm.s32 $0x80;
	s2 =	sshll.u32 s0, $0x7;
	s3 =	sshll.u32 s1, $0x6  }
0x8: {  	s11 =	simm.s32 $0x6080;
	s3 =	sor.u32 s3, s2;
	s2 =	simm.s32 $0x0  }
0x9: {  	s12 =	simm.s32 $0x6880;
	s13 =	simm.s32 $0x7080;
	[smem:$0x7FF] =	sst s2  }
0xa: {  	s14 =	simm.s32 $0x7880;
	_ =	strace $0x8000004A;
	[dreg:$0x5] =	wrdreg s18  }
0xb: {  	s15 =	simm.s32 $0x8080;
	s16 =	simm.s32 $0x8880;
	[dreg:$0x6] =	wrdreg s19  }
0xc: {  	s17 =	simm.s32 $0x9080;
	s28 =	simm.s32 $0xE080;
	[dreg:$0x7] =	wrdreg s20  }
0xd: {  	s29 =	simm.s32 $0xE880;
	s30 =	simm.s32 $0xF080;
	[dreg:$0x8] =	wrdreg s22  }
0xe: {  	s31 =	simm.s32 $0xF880;
	s1 =	ssub.s32 $0x2, s1;
	[dreg:$0x9] =	wrdreg s23  }
0xf: {  	s21 =	sshrl.u32 s1, $0x1;
	s5 =	sshrl.u32 s3, $0x3;
	[dreg:$0xa] =	wrdreg s7  }
0x10: {  	s3 =	sshll.u32 s3, $0x7;
	s1 =	ssub.s32 s1, s21;
	[dreg:$0xb] =	wrdreg s24  }
0x11: {  	s21 =	simm.s32 $0xB080;
	s5 =	sadd.s32 s5, s6;
	[dreg:$0xc] =	wrdreg s8  }
0x12: {  	s3 =	sadd.s32 s4, s3;
	s4 =	sadd.s32 $0x2300, s6;
	[dreg:$0xd] =	wrdreg s25  }
0x13: {  	s7 =	smax.u32 s1, $0x1;
	s8 =	simm.s32 $0x2;
	[dreg:$0xe] =	wrdreg s26  }
0x14: {  	s18 =	simm.s32 $0x9880;
	s19 =	simm.s32 $0xA080;
	s20 =	simm.s32 $0xA880  }
0x15: {  	s22 =	simm.s32 $0xB880;
	s23 =	simm.s32 $0xC080;
	s24 =	simm.s32 $0xC880  }
0x16: {  	v2 =	vlaneseq.u32;
	s25 =	simm.s32 $0xD080;
	s26 =	simm.s32 $0xD880;
	s1 =	simm.s32 $0x1  }
0x17: {  	vm0 =	vmmov $0xffff;
	v1 =	vshrl.u32 v2, $0x3;
	s5 =	sadd.s32 $0x2000, s5;
	[dreg:$0x4] =	wrdreg s3;
	s3 =	sadd.s32 $0x2200, s6  }
0x18: {  	v0 =	vand.u32 $0x7, v2;
	v2 =	vor.u32 $0x8, v2;
	v1 =	vmul.u32 $0x8, v1;
	[dreg:$0x3] =	wrdreg s5;
	s5 =	sadd.s32 $0x2400, s6;
	s6 =	sadd.s32 $0x2500, s6  }
.LBB2_1:
0x19: {  	s0 =	rddreg [dreg:$0x3]  }
0x1a: {  	[tilespmem:s2], [sflag:$0x2] =	stream.linear.gather [hbm4b:s0+s2], $0x40, $0x38;
	[tilespmem:$0x10080] =	vst v63  }
0x1b: {  	_ =	swait.ge [sflag:s8], $0x40  }
0x1c: {  	[sflag:s8] =	ssyncset.done $0x0  }
0x1d: {  	[sflag:s8] =	ssyncadd.s32 $0xFFFFFFC0  }
0x1e: {  	v3 =	vld [tilespmem:$0x0];
	_ =	sdelay $0x4  }
0x1f: {  	v4 =	vshll.u32 v3, $0x3  }
0x20: {  	v3 =	vand.u32 $0x7, v3;
	v4 =	vand.u32 $0xFFFFFFC0, v4  }
0x21: {  	v3 =	vor.u32 v3, v4  }
0x22: {  	v4 =	vperm.xlane v3, v0;
	_ =	sdelay $0x1  }
0x23: {  	v4 =	vadd.s32 v1, v4;
	_ =	sdelay $0x4  }
0x24: {  	[tilespmem:s9], [sflag:$0x1] =	stream.indirect_vreg.gather [hbm4b:s3+s2], $0x80, v4, vm0, $0xb8;
	[tilespmem:$0x10080] =	vst v63  }
0x25: {  	s0 =	rddreg [dreg:$0x5];
	v3 =	vperm.xlane v3, v2  }
0x26: {  	[tilespmem:s0], [sflag:$0x1] =	stream.indirect_vreg.gather [hbm4b:s4+s2], $0x80, v4, vm0, $0xb8;
	[tilespmem:$0x10080] =	vst v63  }
0x27: {  	s10 =	rddreg [dreg:$0x6];
	v3 =	vadd.s32 v1, v3  }
0x28: {  	[tilespmem:s10], [sflag:$0x1] =	stream.indirect_vreg.gather [hbm4b:s5+s2], $0x80, v4, vm0, $0xb8;
	[tilespmem:$0x10080] =	vst v63  }
0x29: {  	s0 =	rddreg [dreg:$0x7]  }
0x2a: {  	[tilespmem:s0], [sflag:$0x1] =	stream.indirect_vreg.gather [hbm4b:s6+s2], $0x80, v4, vm0, $0xb8;
	[tilespmem:$0x10080] =	vst v63  }
0x2b: {  	s10 =	rddreg [dreg:$0x8]  }
0x2c: {  	[tilespmem:s10], [sflag:$0x1] =	stream.indirect_vreg.gather [hbm4b:s3+s2], $0x80, v3, vm0, $0xb8;
	[tilespmem:$0x10080] =	vst v63  }
0x2d: {  	s0 =	rddreg [dreg:$0x9]  }
0x2e: {  	[tilespmem:s0], [sflag:$0x1] =	stream.indirect_vreg.gather [hbm4b:s4+s2], $0x80, v3, vm0, $0xb8;
	[tilespmem:$0x10080] =	vst v63  }
0x2f: {  	s10 =	rddreg [dreg:$0xa]  }
0x30: {  	[tilespmem:s10], [sflag:$0x1] =	stream.indirect_vreg.gather [hbm4b:s5+s2], $0x80, v3, vm0, $0xb8;
	[tilespmem:$0x10080] =	vst v63  }
0x31: {  	s0 =	rddreg [dreg:$0xb]  }
0x32: {  	[tilespmem:s0], [sflag:$0x1] =	stream.indirect_vreg.gather [hbm4b:s6+s2], $0x80, v3, vm0, $0xb8;
	[tilespmem:$0x10080] =	vst v63  }
0x33: {  	v3 =	vld [tilespmem:$0x10];
	_ =	sdelay $0x4  }
0x34: {  	v61 =	vshll.u32 v3, $0x3  }
0x35: {  	v3 =	vand.u32 $0x7, v3;
	v4 =	vand.u32 $0xFFFFFFC0, v61  }
0x36: {  	v3 =	vor.u32 v3, v4  }
0x37: {  	v4 =	vperm.xlane v3, v0;
	_ =	sdelay $0x1  }
0x38: {  	v4 =	vadd.s32 v1, v4;
	_ =	sdelay $0x3  }
0x39: {  	s0 =	rddreg [dreg:$0xc]  }
0x3a: {  	[tilespmem:s0], [sflag:$0x1] =	stream.indirect_vreg.gather [hbm4b:s3+s2], $0x80, v4, vm0, $0xb8;
	[tilespmem:$0x10080] =	vst v63  }
0x3b: {  	s10 =	rddreg [dreg:$0xd];
	v3 =	vperm.xlane v3, v2  }
0x3c: {  	[tilespmem:s10], [sflag:$0x1] =	stream.indirect_vreg.gather [hbm4b:s4+s2], $0x80, v4, vm0, $0xb8;
	[tilespmem:$0x10080] =	vst v63  }
0x3d: {  	v3 =	vadd.s32 v1, v3;
	s0 =	rddreg [dreg:$0xe]  }
0x3e: {  	[tilespmem:s0], [sflag:$0x1] =	stream.indirect_vreg.gather [hbm4b:s5+s2], $0x80, v4, vm0, $0xb8;
	[tilespmem:$0x10080] =	vst v63  }
0x3f: {  	s10 =	simm.s32 $0x5880  }
0x40: {  	[tilespmem:s10], [sflag:$0x1] =	stream.indirect_vreg.gather [hbm4b:s6+s2], $0x80, v4, vm0, $0xb8;
	[tilespmem:$0x10080] =	vst v63  }
0x41: {  	_ = 	snop  }
0x42: {  	[tilespmem:s11], [sflag:$0x1] =	stream.indirect_vreg.gather [hbm4b:s3+s2], $0x80, v3, vm0, $0xb8;
	[tilespmem:$0x10080] =	vst v63  }
0x43: {  	_ = 	snop  }
0x44: {  	[tilespmem:s12], [sflag:$0x1] =	stream.indirect_vreg.gather [hbm4b:s4+s2], $0x80, v3, vm0, $0xb8;
	[tilespmem:$0x10080] =	vst v63  }
0x45: {  	_ = 	snop  }
0x46: {  	[tilespmem:s13], [sflag:$0x1] =	stream.indirect_vreg.gather [hbm4b:s5+s2], $0x80, v3, vm0, $0xb8;
	[tilespmem:$0x10080] =	vst v63  }
0x47: {  	_ = 	snop  }
0x48: {  	[tilespmem:s14], [sflag:$0x1] =	stream.indirect_vreg.gather [hbm4b:s6+s2], $0x80, v3, vm0, $0xb8;
	[tilespmem:$0x10080] =	vst v63  }
0x49: {  	v3 =	vld [tilespmem:$0x20];
	_ =	sdelay $0x4  }
0x4a: {  	v62 =	vshll.u32 v3, $0x3  }
0x4b: {  	v3 =	vand.u32 $0x7, v3;
	v4 =	vand.u32 $0xFFFFFFC0, v62  }
0x4c: {  	v3 =	vor.u32 v3, v4  }
0x4d: {  	v4 =	vperm.xlane v3, v0;
	_ =	sdelay $0x1  }
0x4e: {  	v4 =	vadd.s32 v1, v4;
	_ =	sdelay $0x4  }
0x4f: {  	[tilespmem:s15], [sflag:$0x1] =	stream.indirect_vreg.gather [hbm4b:s3+s2], $0x80, v4, vm0, $0xb8;
	[tilespmem:$0x10080] =	vst v63  }
0x50: {  	v3 =	vperm.xlane v3, v2  }
0x51: {  	[tilespmem:s16], [sflag:$0x1] =	stream.indirect_vreg.gather [hbm4b:s4+s2], $0x80, v4, vm0, $0xb8;
	[tilespmem:$0x10080] =	vst v63  }
0x52: {  	v3 =	vadd.s32 v1, v3  }
0x53: {  	[tilespmem:s17], [sflag:$0x1] =	stream.indirect_vreg.gather [hbm4b:s5+s2], $0x80, v4, vm0, $0xb8;
	[tilespmem:$0x10080] =	vst v63  }
0x54: {  	_ = 	snop  }
0x55: {  	[tilespmem:s18], [sflag:$0x1] =	stream.indirect_vreg.gather [hbm4b:s6+s2], $0x80, v4, vm0, $0xb8;
	[tilespmem:$0x10080] =	vst v63  }
0x56: {  	_ = 	snop  }
0x57: {  	[tilespmem:s19], [sflag:$0x1] =	stream.indirect_vreg.gather [hbm4b:s3+s2], $0x80, v3, vm0, $0xb8;
	[tilespmem:$0x10080] =	vst v63  }
0x58: {  	_ = 	snop  }
0x59: {  	[tilespmem:s20], [sflag:$0x1] =	stream.indirect_vreg.gather [hbm4b:s4+s2], $0x80, v3, vm0, $0xb8;
	[tilespmem:$0x10080] =	vst v63  }
0x5a: {  	_ = 	snop  }
0x5b: {  	[tilespmem:s21], [sflag:$0x1] =	stream.indirect_vreg.gather [hbm4b:s5+s2], $0x80, v3, vm0, $0xb8;
	[tilespmem:$0x10080] =	vst v63  }
0x5c: {  	_ = 	snop  }
0x5d: {  	[tilespmem:s22], [sflag:$0x1] =	stream.indirect_vreg.gather [hbm4b:s6+s2], $0x80, v3, vm0, $0xb8;
	[tilespmem:$0x10080] =	vst v63  }
0x5e: {  	v3 =	vld [tilespmem:$0x30];
	_ =	sdelay $0x4  }
0x5f: {  	v63 =	vshll.u32 v3, $0x3  }
0x60: {  	v3 =	vand.u32 $0x7, v3;
	v4 =	vand.u32 $0xFFFFFFC0, v63  }
0x61: {  	v3 =	vor.u32 v3, v4  }
0x62: {  	v4 =	vperm.xlane v3, v0;
	_ =	sdelay $0x1  }
0x63: {  	v4 =	vadd.s32 v1, v4;
	_ =	sdelay $0x4  }
0x64: {  	[tilespmem:s23], [sflag:$0x1] =	stream.indirect_vreg.gather [hbm4b:s3+s2], $0x80, v4, vm0, $0xb8;
	[tilespmem:$0x10080] =	vst v63  }
0x65: {  	v3 =	vperm.xlane v3, v2  }
0x66: {  	[tilespmem:s24], [sflag:$0x1] =	stream.indirect_vreg.gather [hbm4b:s4+s2], $0x80, v4, vm0, $0xb8;
	[tilespmem:$0x10080] =	vst v63  }
0x67: {  	v3 =	vadd.s32 v1, v3  }
0x68: {  	[tilespmem:s25], [sflag:$0x1] =	stream.indirect_vreg.gather [hbm4b:s5+s2], $0x80, v4, vm0, $0xb8;
	[tilespmem:$0x10080] =	vst v63  }
0x69: {  	_ = 	snop  }
0x6a: {  	[tilespmem:s26], [sflag:$0x1] =	stream.indirect_vreg.gather [hbm4b:s6+s2], $0x80, v4, vm0, $0xb8;
	[tilespmem:$0x10080] =	vst v63  }
0x6b: {  	_ = 	snop  }
0x6c: {  	[tilespmem:s28], [sflag:$0x1] =	stream.indirect_vreg.gather [hbm4b:s3+s2], $0x80, v3, vm0, $0xb8;
	[tilespmem:$0x10080] =	vst v63  }
0x6d: {  	_ = 	snop  }
0x6e: {  	[tilespmem:s29], [sflag:$0x1] =	stream.indirect_vreg.gather [hbm4b:s4+s2], $0x80, v3, vm0, $0xb8;
	[tilespmem:$0x10080] =	vst v63  }
0x6f: {  	_ = 	snop  }
0x70: {  	[tilespmem:s30], [sflag:$0x1] =	stream.indirect_vreg.gather [hbm4b:s5+s2], $0x80, v3, vm0, $0xb8;
	[tilespmem:$0x10080] =	vst v63  }
0x71: {  	_ = 	snop  }
0x72: {  	[tilespmem:s31], [sflag:$0x1] =	stream.indirect_vreg.gather [hbm4b:s6+s2], $0x80, v3, vm0, $0xb8;
	[tilespmem:$0x10080] =	vst v63  }
0x73: {  	_ =	swait.ge [sflag:s1], $0x10000  }
0x74: {  	p0 =	sne.s32 s7, $0x1;
	[sflag:s1] =	ssyncset.done $0x0  }
.Ltmp0:
0x75: {  	s10 =	rddreg [dreg:$0x4];
	[sflag:s1] =	ssyncadd.s32 $0xFFFF0000;
	(pc) =	sbr.rel @p0 .LBB2_1-.Ltmp0, $4  }
0x76: {  	[hbm4b:s10+s2] =	stream.linear.scatter [tilespmem:s9], [sflag:$0x2], $0x10000, $0x38;
	[tilespmem:$0x10080] =	vst v63  }
0x77: {  	_ =	swait.ge [sflag:s8], $0x10000  }
0x78: {  	[sflag:s8] =	ssyncset.done $0x0  }
0x79: {  	s7 =	sadd.s32 $0xFFFFFFFF, s7;
	[sflag:s8] =	ssyncadd.s32 $0xFFFF0000  }
0x7a: {  	_ =	sfence.sel $0x180000  }
0x7b: {  	[bflag:$0x0] =	sbarrier.arrive $0xFFFF  }
0x7c: {  	_ =	strace $0x9000004A  }
0x7d: {  	s0 =	stileid.u32;
	[bflag:$0x2] =	sbarrier.arrive $0xFFFF  }
0x7e: {  	p0 =	sne.s32 s0, $0x0;
	s0 =	rddreg [dreg:$0x2]  }
0x7f: {  	s0 =	sadd.s32 @!p0 $0x100000, s0  }
0x80: {  	[sflag:s0] =	ssyncadd.tile.s32 @!p0 $0x1;
	_ =	shalt  }
.Lfunc_end2:
_tile_overlayer_lowered:
.L_overlay_start_2:
0x81: {  	(tag) =	ssettag $0x2  }
0x82: {  	s0 =	rddreg [dreg:$0x0];
	s2 =	stileid.u32  }
0x83: {  	s1 =	rddreg [dreg:$0x1];
	p0 =	sne.s32 s2, $0x0  }
0x84: {  	s3 =	rddreg [dreg:$0x2];
	[bflag:$0x3] =	sbarrier.arrive $0xFFFF;
	s2 =	simm.s32 @!p0 $0x1C02  }
0x85: {  	[timem:s3], [sflag:s2] =	dma.local @!p0 [hbm:s0], s1  }
0x86: {  	s0 =	simm.s32 @!p0 $0x2  }
0x87: {  	_ =	swait.ge @!p0 [sflag:s0], s1  }
0x88: {  	s1 =	ssub.s32 @!p0 $0x0, s1;
	[sflag:s0] =	ssyncset.done @!p0 $0x0  }
0x89: {  	[sflag:s0] =	ssyncadd.s32 @!p0 s1  }
0x8a: {  	[bflag:$0x3] =	sbarrier.arrive $0xFFFF  }
0x8b: {  	_ =	shalt  }

</sc_bundles>
